<compile_context>
chip_gen: v7x
topology: tpu7x:2x2x1
jax: 0.10.2.dev20260603
libtpu: 0.0.44.dev20260713+nightly
codegen_flags: <defaults>
</compile_context>

<pallas_src>
import functools

import jax
import jax.numpy as jnp
from jax import lax
from jax.experimental import pallas as pl
from jax.experimental.pallas import tpu as pltpu
from jax.experimental.pallas import tpu_sc as plsc

VOCAB = 100000
EMBED = 32
BATCH = 1024
CTX = 50

NC = 2
NS = 16
NW = NC * NS
BPW = BATCH // NW

VT = 2048
NV = -(-VOCAB // VT)
C = 8
BC = BATCH // C


def _sc_pool_body(idx_hbm, table_hbm, out_hbm, idx_v, rows_v, ctx_v, sem):
    wid = lax.axis_index("s") * NC + lax.axis_index("c")
    base = wid * BPW

    pltpu.sync_copy(idx_hbm.at[pl.ds(base, BPW)], idx_v)

    half = BPW // 2
    for g in range(2):
        copies = []
        for b in range(g * half, (g + 1) * half):
            copies.append(
                pltpu.async_copy(table_hbm.at[idx_v.at[b]], rows_v.at[b], sem)
            )
        for c in copies:
            c.wait()

    scale = jnp.float32(1.0 / CTX)

    def pool_row(b, carry):
        def step(j, acc):
            a0, a1 = acc
            return (a0 + rows_v[b, j, pl.ds(0, 16)],
                    a1 + rows_v[b, j, pl.ds(16, 16)])

        z = jnp.zeros((16,), jnp.float32)
        a0, a1 = lax.fori_loop(0, CTX, step, (z, z))
        ctx_v[b, pl.ds(0, 16)] = a0 * scale
        ctx_v[b, pl.ds(16, 16)] = a1 * scale
        return carry

    lax.fori_loop(0, BPW, pool_row, 0)

    pltpu.sync_copy(ctx_v, out_hbm.at[pl.ds(base, BPW)])


@functools.cache
def _sc_pool():
    return pl.kernel(
        _sc_pool_body,
        out_type=jax.ShapeDtypeStruct((BATCH, EMBED), jnp.float32),
        mesh=plsc.VectorSubcoreMesh(
            core_axis_name="c", subcore_axis_name="s",
            num_cores=NC, num_subcores=NS,
        ),
        scratch_types=[
            pltpu.VMEM((BPW, CTX), jnp.int32),
            pltpu.VMEM((BPW, CTX, EMBED), jnp.float32),
            pltpu.VMEM((BPW, EMBED), jnp.float32),
            pltpu.SemaphoreType.DMA,
        ],
        compiler_params=pltpu.CompilerParams(use_tc_tiling_on_sc=False),
    )


VPAD = NV * VT
NSLOT = 4
NVW = NV - 1
VTAIL_OFF = NVW * VT


def _fused_body(ctx_ref, w_ref, b_ref, out_ref, s_out, s_scr, sbuf, sem, ring):
    i = pl.program_id(0)
    v = pl.program_id(1)
    vs = pl.multiple_of(v * VT, 1024)

    def wait_slot(slot):
        pltpu.make_async_copy(
            sbuf.at[slot],
            out_ref.at[pl.ds(0, BC), pl.ds(0, VT)],
            sem.at[slot],
        ).wait()

    @pl.when((i > 0) & (v < NVW))
    def _write():
        w_cnt = (i - 1) * NVW + v
        slot = lax.rem(w_cnt, NSLOT)

        @pl.when(w_cnt >= NSLOT)
        def _():
            wait_slot(slot)

        e_prev = ring[:, pl.ds(vs, VT)].astype(jnp.float32)
        q = lax.rem(i + 1, 2)
        val = e_prev * (1.0 / s_scr[pl.ds(q, 1)][0])
        sbuf[pl.ds(slot, 1)] = val[None]

        pltpu.async_copy(
            sbuf.at[slot],
            out_ref.at[pl.ds((i - 1) * BC, BC), pl.ds(vs, VT)],
            sem.at[slot],
        )

    ii = jnp.minimum(i, C - 1)
    c16 = ctx_ref[pl.ds(ii * BC, BC), :].astype(jnp.bfloat16)
    lg = jnp.dot(
        c16, w_ref[:, pl.ds(vs, VT)], preferred_element_type=jnp.float32
    ) + b_ref[:, pl.ds(vs, VT)]
    e = jnp.exp(lg)
    part = jnp.sum(e, axis=1, keepdims=True)[None]
    pp = lax.rem(i, 2)
    prev = s_scr[pl.ds(pp, 1)]
    s_scr[pl.ds(pp, 1)] = jnp.where(v == 0, 0.0, prev) + part
    ring[:, pl.ds(vs, VT)] = e.astype(jnp.bfloat16)

    @pl.when(i > 0)
    def _publish():
        qq = lax.rem(i + 1, 2)
        s_out[...] = s_scr[pl.ds(qq, 1)][0]

    @pl.when((i == C) & (v == NV - 1))
    def _drain():
        for sl in range(NSLOT):
            wait_slot(sl)


_fused_call = pl.pallas_call(
    _fused_body,
    grid=(C + 1, NV),
    in_specs=[
        pl.BlockSpec((BATCH, EMBED), lambda i, v: (0, 0)),
        pl.BlockSpec((EMBED, VPAD), lambda i, v: (0, 0)),
        pl.BlockSpec((1, VPAD), lambda i, v: (0, 0)),
    ],
    out_specs=[
        pl.BlockSpec(memory_space=pl.ANY),
        pl.BlockSpec((BC, 1), lambda i, v: (jnp.maximum(i - 1, 0), 0)),
    ],
    out_shape=[
        jax.ShapeDtypeStruct((BATCH, VOCAB), jnp.float32),
        jax.ShapeDtypeStruct((BATCH, 1), jnp.float32),
    ],
    scratch_shapes=[
        pltpu.VMEM((2, BC, 1), jnp.float32),
        pltpu.VMEM((NSLOT, BC, VT), jnp.float32),
        pltpu.SemaphoreType.DMA((NSLOT,)),
        pltpu.VMEM((BC, VPAD), jnp.bfloat16),
    ],
    compiler_params=pltpu.CompilerParams(
        vmem_limit_bytes=100 * 1024 * 1024,
    ),
)


def _tail_body(big_ref, ctx_ref, w_ref, b_ref, s_ref, out_ref):
    lg = jnp.dot(
        ctx_ref[...].astype(jnp.bfloat16),
        w_ref[...],
        preferred_element_type=jnp.float32,
    ) + b_ref[...]
    out_ref[...] = jnp.exp(lg) * (1.0 / s_ref[...])


_tail_call = pl.pallas_call(
    _tail_body,
    grid=(1,),
    in_specs=[
        pl.BlockSpec(memory_space=pl.ANY),
        pl.BlockSpec((BATCH, EMBED), lambda v: (0, 0)),
        pl.BlockSpec((EMBED, VT), lambda v: (0, 0)),
        pl.BlockSpec((1, VT), lambda v: (0, 0)),
        pl.BlockSpec((BATCH, 1), lambda v: (0, 0)),
    ],
    out_specs=pl.BlockSpec((BATCH, VT), lambda v: (0, NVW)),
    out_shape=jax.ShapeDtypeStruct((BATCH, VOCAB), jnp.float32),
    input_output_aliases={0: 0},
    compiler_params=pltpu.CompilerParams(
        vmem_limit_bytes=100 * 1024 * 1024,
    ),
)


def kernel(indices, emb_table, W, b):
    idx = indices.astype(jnp.int32)
    w16 = jnp.pad(W, ((0, 0), (0, VPAD - VOCAB))).astype(jnp.bfloat16)
    b2d = jnp.pad(b, (0, VPAD - VOCAB), constant_values=-1e9).reshape(1, VPAD)
    ctx = _sc_pool()(idx, emb_table)
    big, s_all = _fused_call(ctx, w16, b2d)
    w_tail = lax.slice(w16, (0, VTAIL_OFF), (EMBED, VPAD))
    b_tail = lax.slice(b2d, (0, VTAIL_OFF), (1, VPAD))
    return _tail_call(big, ctx, w_tail, b_tail, s_all)

# --- scband reference (transcript-rebuilt; emitter-appended) ---
"""Pipeline reference for scband-cbowmodel-55705725829159 (READ-ONLY COPY).

The authoritative reference and input builder live on the scoring server;
editing this copy changes nothing except your own understanding.
"""

import jax, jax.numpy as jnp
import numpy as np

VOCAB = 100000
EMBED = 32
BATCH = 1024
CTX = 50


def setup_inputs(seed: int = 0) -> dict:
    key = jax.random.key(seed)
    k_idx, k_emb, k_w = jax.random.split(key, 3)
    indices = jax.random.randint(k_idx, (BATCH, CTX), 0, VOCAB, dtype=jnp.int64)
    emb_table = jax.random.normal(k_emb, (VOCAB, EMBED), dtype=jnp.float32)
    W = jax.random.normal(k_w, (EMBED, VOCAB), dtype=jnp.float32) * 0.05
    b = jnp.zeros((VOCAB,), dtype=jnp.float32)
    return {"indices": indices, "emb_table": emb_table, "W": W, "b": b}


def reference(indices, emb_table, W, b):
    # Embedding lookup: gather rows of the table (SparseCore-friendly)
    embedded = jnp.take(emb_table, indices, axis=0)  # [B, CTX, EMBED]
    # CBOW context vector: mean over the context window
    context_vector = jnp.mean(embedded, axis=1)  # [B, EMBED]
    # Dense projection to vocab + softmax
    logits = context_vector @ W + b  # [B, VOCAB]
    return jax.nn.softmax(logits, axis=-1)

if __name__ == "__main__":
    import jax
    _d = setup_inputs()
    print(jax.jit(kernel)(*tuple(_d.values())))

</pallas_src>

<mosaic_0001>
#map = affine_map<(d0, d1) -> (0, 0)>
module attributes {stable_mosaic.version = 14 : i64} {
  func.func @_sc_pool_body(%arg0: i32, %arg1: i32, %arg2: memref<1024x50xi32, #tpu.memory_space<hbm>>, %arg3: memref<100000x32xf32, #tpu.memory_space<hbm>>, %arg4: memref<1024x32xf32, #tpu.memory_space<hbm>>, %arg5: memref<32x50xi32, #tpu.memory_space<vmem>>, %arg6: memref<32x50x32xf32, #tpu.memory_space<vmem>>, %arg7: memref<32x32xf32, #tpu.memory_space<vmem>>, %arg8: memref<!tpu.dma_semaphore, #tpu.memory_space<semaphore_mem>>) attributes {dimension_semantics = [#tpu.dimension_semantics<core_parallel>, #tpu.dimension_semantics<subcore_parallel>], iteration_bounds = array<i64: 2, 16>, scalar_prefetch = 0 : i64, scratch_operands = 4 : i64, tpu.core_type = #tpu.core_type<sc_vector_subcore>, window_params = [{transform_indices = #map}, {transform_indices = #map}, {transform_indices = #map}]} {
    %mul3A = arith.constant 2 : i32
    %mul3A_0 = arith.muli %arg1, %mul3A : i32
    %add3A = arith.addi %mul3A_0, %arg0 : i32
    %mul3A_1 = arith.constant 32 : i32
    %mul3A_2 = arith.muli %add3A, %mul3A_1 : i32
    "tpu.region"() ({
      %run_scoped3A = tpu.sem_alloc : memref<!tpu.dma_semaphore, #tpu.memory_space<semaphore_mem>>
      %dma_start3A_775 = arith.constant 0 : i32
      %dma_start3A_776 = tpu.memref_slice %arg2[%mul3A_2, %dma_start3A_775] : memref<1024x50xi32, #tpu.memory_space<hbm>> -> memref<32x50xi32, #tpu.memory_space<hbm>>
      %dma_start3A_777 = arith.constant 0 : i32
      %dma_start3A_778 = tpu.memref_slice %arg2[%mul3A_2, %dma_start3A_777] : memref<1024x50xi32, #tpu.memory_space<hbm>> -> memref<32x50xi32, #tpu.memory_space<hbm>>
      tpu.enqueue_dma source(%dma_start3A_778 : memref<32x50xi32, #tpu.memory_space<hbm>>) target(%arg5 : memref<32x50xi32, #tpu.memory_space<vmem>>) target_semaphore(%run_scoped3A : memref<!tpu.dma_semaphore, #tpu.memory_space<semaphore_mem>>)
      %dma_wait3A_779 = arith.constant 0 : i32
      %dma_wait3A_780 = tpu.memref_slice %arg2[%mul3A_2, %dma_wait3A_779] : memref<1024x50xi32, #tpu.memory_space<hbm>> -> memref<32x50xi32, #tpu.memory_space<hbm>>
      %dma_wait3A_781 = arith.constant 0 : i32
      %dma_wait3A_782 = tpu.memref_slice %arg2[%mul3A_2, %dma_wait3A_781] : memref<1024x50xi32, #tpu.memory_space<hbm>> -> memref<32x50xi32, #tpu.memory_space<hbm>>
      tpu.wait_dma2 semaphore(%run_scoped3A : memref<!tpu.dma_semaphore, #tpu.memory_space<semaphore_mem>>) src(%dma_wait3A_782 : memref<32x50xi32, #tpu.memory_space<hbm>>) dst(%arg5 : memref<32x50xi32, #tpu.memory_space<vmem>>)
      tpu.yield
    }) : () -> ()
    %dma_start3A = arith.constant 0 : i32
    %dma_start3A_3 = arith.constant 0 : i32
    %dma_start3A_4 = arith.constant 0 : i32
    %dma_start3A_5 = arith.constant 0 : i32
    %dma_start3A_6 = tpu.memref_slice %arg6[%dma_start3A_3, %dma_start3A_4, %dma_start3A_5] : memref<32x50x32xf32, #tpu.memory_space<vmem>> -> memref<1x50x32xf32, #tpu.memory_space<vmem>>
    %dma_start3A_7 = tpu.memref_squeeze %dma_start3A_6 : memref<1x50x32xf32, #tpu.memory_space<vmem>> -> memref<50x32xf32, #tpu.memory_space<vmem>>
    %dma_start3A_8 = arith.constant 0 : i32
    %dma_start3A_9 = tpu.memref_slice %arg5[%dma_start3A, %dma_start3A_8] : memref<32x50xi32, #tpu.memory_space<vmem>> -> memref<1x50xi32, #tpu.memory_space<vmem>>
    %dma_start3A_10 = tpu.memref_squeeze %dma_start3A_9 : memref<1x50xi32, #tpu.memory_space<vmem>> -> memref<50xi32, #tpu.memory_space<vmem>>
    %dma_start3A_11 = arith.constant 0 : i32
    %dma_start3A_12 = arith.constant 0 : i32
    %dma_start3A_13 = tpu.memref_slice %arg3[%dma_start3A_11, %dma_start3A_12] : memref<100000x32xf32, #tpu.memory_space<hbm>> -> memref<100000x32xf32, #tpu.memory_space<hbm>>
    tpu.enqueue_indirect_dma source(%dma_start3A_13 : memref<100000x32xf32, #tpu.memory_space<hbm>>) target(%dma_start3A_7 : memref<50x32xf32, #tpu.memory_space<vmem>>) offsets(%dma_start3A_10 : memref<50xi32, #tpu.memory_space<vmem>>) semaphore(%arg8 : memref<!tpu.dma_semaphore, #tpu.memory_space<semaphore_mem>>)
    %dma_start3A_14 = arith.constant 1 : i32
    %dma_start3A_15 = arith.constant 1 : i32
    %dma_start3A_16 = arith.constant 0 : i32
    %dma_start3A_17 = arith.constant 0 : i32
    %dma_start3A_18 = tpu.memref_slice %arg6[%dma_start3A_15, %dma_start3A_16, %dma_start3A_17] : memref<32x50x32xf32, #tpu.memory_space<vmem>> -> memref<1x50x32xf32, #tpu.memory_space<vmem>>
    %dma_start3A_19 = tpu.memref_squeeze %dma_start3A_18 : memref<1x50x32xf32, #tpu.memory_space<vmem>> -> memref<50x32xf32, #tpu.memory_space<vmem>>
    %dma_start3A_20 = arith.constant 0 : i32
    %dma_start3A_21 = tpu.memref_slice %arg5[%dma_start3A_14, %dma_start3A_20] : memref<32x50xi32, #tpu.memory_space<vmem>> -> memref<1x50xi32, #tpu.memory_space<vmem>>
    %dma_start3A_22 = tpu.memref_squeeze %dma_start3A_21 : memref<1x50xi32, #tpu.memory_space<vmem>> -> memref<50xi32, #tpu.memory_space<vmem>>
    %dma_start3A_23 = arith.constant 0 : i32
    %dma_start3A_24 = arith.constant 0 : i32
    %dma_start3A_25 = tpu.memref_slice %arg3[%dma_start3A_23, %dma_start3A_24] : memref<100000x32xf32, #tpu.memory_space<hbm>> -> memref<100000x32xf32, #tpu.memory_space<hbm>>
    tpu.enqueue_indirect_dma source(%dma_start3A_25 : memref<100000x32xf32, #tpu.memory_space<hbm>>) target(%dma_start3A_19 : memref<50x32xf32, #tpu.memory_space<vmem>>) offsets(%dma_start3A_22 : memref<50xi32, #tpu.memory_space<vmem>>) semaphore(%arg8 : memref<!tpu.dma_semaphore, #tpu.memory_space<semaphore_mem>>)
    %dma_start3A_26 = arith.constant 2 : i32
    %dma_start3A_27 = arith.constant 2 : i32
    %dma_start3A_28 = arith.constant 0 : i32
    %dma_start3A_29 = arith.constant 0 : i32
    %dma_start3A_30 = tpu.memref_slice %arg6[%dma_start3A_27, %dma_start3A_28, %dma_start3A_29] : memref<32x50x32xf32, #tpu.memory_space<vmem>> -> memref<1x50x32xf32, #tpu.memory_space<vmem>>
    %dma_start3A_31 = tpu.memref_squeeze %dma_start3A_30 : memref<1x50x32xf32, #tpu.memory_space<vmem>> -> memref<50x32xf32, #tpu.memory_space<vmem>>
    %dma_start3A_32 = arith.constant 0 : i32
    %dma_start3A_33 = tpu.memref_slice %arg5[%dma_start3A_26, %dma_start3A_32] : memref<32x50xi32, #tpu.memory_space<vmem>> -> memref<1x50xi32, #tpu.memory_space<vmem>>
    %dma_start3A_34 = tpu.memref_squeeze %dma_start3A_33 : memref<1x50xi32, #tpu.memory_space<vmem>> -> memref<50xi32, #tpu.memory_space<vmem>>
    %dma_start3A_35 = arith.constant 0 : i32
    %dma_start3A_36 = arith.constant 0 : i32
    %dma_start3A_37 = tpu.memref_slice %arg3[%dma_start3A_35, %dma_start3A_36] : memref<100000x32xf32, #tpu.memory_space<hbm>> -> memref<100000x32xf32, #tpu.memory_space<hbm>>
    tpu.enqueue_indirect_dma source(%dma_start3A_37 : memref<100000x32xf32, #tpu.memory_space<hbm>>) target(%dma_start3A_31 : memref<50x32xf32, #tpu.memory_space<vmem>>) offsets(%dma_start3A_34 : memref<50xi32, #tpu.memory_space<vmem>>) semaphore(%arg8 : memref<!tpu.dma_semaphore, #tpu.memory_space<semaphore_mem>>)
    %dma_start3A_38 = arith.constant 3 : i32
    %dma_start3A_39 = arith.constant 3 : i32
    %dma_start3A_40 = arith.constant 0 : i32
    %dma_start3A_41 = arith.constant 0 : i32
    %dma_start3A_42 = tpu.memref_slice %arg6[%dma_start3A_39, %dma_start3A_40, %dma_start3A_41] : memref<32x50x32xf32, #tpu.memory_space<vmem>> -> memref<1x50x32xf32, #tpu.memory_space<vmem>>
    %dma_start3A_43 = tpu.memref_squeeze %dma_start3A_42 : memref<1x50x32xf32, #tpu.memory_space<vmem>> -> memref<50x32xf32, #tpu.memory_space<vmem>>
    %dma_start3A_44 = arith.constant 0 : i32
    %dma_start3A_45 = tpu.memref_slice %arg5[%dma_start3A_38, %dma_start3A_44] : memref<32x50xi32, #tpu.memory_space<vmem>> -> memref<1x50xi32, #tpu.memory_space<vmem>>
    %dma_start3A_46 = tpu.memref_squeeze %dma_start3A_45 : memref<1x50xi32, #tpu.memory_space<vmem>> -> memref<50xi32, #tpu.memory_space<vmem>>
    %dma_start3A_47 = arith.constant 0 : i32
    %dma_start3A_48 = arith.constant 0 : i32
    %dma_start3A_49 = tpu.memref_slice %arg3[%dma_start3A_47, %dma_start3A_48] : memref<100000x32xf32, #tpu.memory_space<hbm>> -> memref<100000x32xf32, #tpu.memory_space<hbm>>
    tpu.enqueue_indirect_dma source(%dma_start3A_49 : memref<100000x32xf32, #tpu.memory_space<hbm>>) target(%dma_start3A_43 : memref<50x32xf32, #tpu.memory_space<vmem>>) offsets(%dma_start3A_46 : memref<50xi32, #tpu.memory_space<vmem>>) semaphore(%arg8 : memref<!tpu.dma_semaphore, #tpu.memory_space<semaphore_mem>>)
    %dma_start3A_50 = arith.constant 4 : i32
    %dma_start3A_51 = arith.constant 4 : i32
    %dma_start3A_52 = arith.constant 0 : i32
    %dma_start3A_53 = arith.constant 0 : i32
    %dma_start3A_54 = tpu.memref_slice %arg6[%dma_start3A_51, %dma_start3A_52, %dma_start3A_53] : memref<32x50x32xf32, #tpu.memory_space<vmem>> -> memref<1x50x32xf32, #tpu.memory_space<vmem>>
    %dma_start3A_55 = tpu.memref_squeeze %dma_start3A_54 : memref<1x50x32xf32, #tpu.memory_space<vmem>> -> memref<50x32xf32, #tpu.memory_space<vmem>>
    %dma_start3A_56 = arith.constant 0 : i32
    %dma_start3A_57 = tpu.memref_slice %arg5[%dma_start3A_50, %dma_start3A_56] : memref<32x50xi32, #tpu.memory_space<vmem>> -> memref<1x50xi32, #tpu.memory_space<vmem>>
    %dma_start3A_58 = tpu.memref_squeeze %dma_start3A_57 : memref<1x50xi32, #tpu.memory_space<vmem>> -> memref<50xi32, #tpu.memory_space<vmem>>
    %dma_start3A_59 = arith.constant 0 : i32
    %dma_start3A_60 = arith.constant 0 : i32
    %dma_start3A_61 = tpu.memref_slice %arg3[%dma_start3A_59, %dma_start3A_60] : memref<100000x32xf32, #tpu.memory_space<hbm>> -> memref<100000x32xf32, #tpu.memory_space<hbm>>
    tpu.enqueue_indirect_dma source(%dma_start3A_61 : memref<100000x32xf32, #tpu.memory_space<hbm>>) target(%dma_start3A_55 : memref<50x32xf32, #tpu.memory_space<vmem>>) offsets(%dma_start3A_58 : memref<50xi32, #tpu.memory_space<vmem>>) semaphore(%arg8 : memref<!tpu.dma_semaphore, #tpu.memory_space<semaphore_mem>>)
    %dma_start3A_62 = arith.constant 5 : i32
    %dma_start3A_63 = arith.constant 5 : i32
    %dma_start3A_64 = arith.constant 0 : i32
    %dma_start3A_65 = arith.constant 0 : i32
    %dma_start3A_66 = tpu.memref_slice %arg6[%dma_start3A_63, %dma_start3A_64, %dma_start3A_65] : memref<32x50x32xf32, #tpu.memory_space<vmem>> -> memref<1x50x32xf32, #tpu.memory_space<vmem>>
    %dma_start3A_67 = tpu.memref_squeeze %dma_start3A_66 : memref<1x50x32xf32, #tpu.memory_space<vmem>> -> memref<50x32xf32, #tpu.memory_space<vmem>>
    %dma_start3A_68 = arith.constant 0 : i32
    %dma_start3A_69 = tpu.memref_slice %arg5[%dma_start3A_62, %dma_start3A_68] : memref<32x50xi32, #tpu.memory_space<vmem>> -> memref<1x50xi32, #tpu.memory_space<vmem>>
    %dma_start3A_70 = tpu.memref_squeeze %dma_start3A_69 : memref<1x50xi32, #tpu.memory_space<vmem>> -> memref<50xi32, #tpu.memory_space<vmem>>
    %dma_start3A_71 = arith.constant 0 : i32
    %dma_start3A_72 = arith.constant 0 : i32
    %dma_start3A_73 = tpu.memref_slice %arg3[%dma_start3A_71, %dma_start3A_72] : memref<100000x32xf32, #tpu.memory_space<hbm>> -> memref<100000x32xf32, #tpu.memory_space<hbm>>
    tpu.enqueue_indirect_dma source(%dma_start3A_73 : memref<100000x32xf32, #tpu.memory_space<hbm>>) target(%dma_start3A_67 : memref<50x32xf32, #tpu.memory_space<vmem>>) offsets(%dma_start3A_70 : memref<50xi32, #tpu.memory_space<vmem>>) semaphore(%arg8 : memref<!tpu.dma_semaphore, #tpu.memory_space<semaphore_mem>>)
    %dma_start3A_74 = arith.constant 6 : i32
    %dma_start3A_75 = arith.constant 6 : i32
    %dma_start3A_76 = arith.constant 0 : i32
    %dma_start3A_77 = arith.constant 0 : i32
    %dma_start3A_78 = tpu.memref_slice %arg6[%dma_start3A_75, %dma_start3A_76, %dma_start3A_77] : memref<32x50x32xf32, #tpu.memory_space<vmem>> -> memref<1x50x32xf32, #tpu.memory_space<vmem>>
    %dma_start3A_79 = tpu.memref_squeeze %dma_start3A_78 : memref<1x50x32xf32, #tpu.memory_space<vmem>> -> memref<50x32xf32, #tpu.memory_space<vmem>>
    %dma_start3A_80 = arith.constant 0 : i32
    %dma_start3A_81 = tpu.memref_slice %arg5[%dma_start3A_74, %dma_start3A_80] : memref<32x50xi32, #tpu.memory_space<vmem>> -> memref<1x50xi32, #tpu.memory_space<vmem>>
    %dma_start3A_82 = tpu.memref_squeeze %dma_start3A_81 : memref<1x50xi32, #tpu.memory_space<vmem>> -> memref<50xi32, #tpu.memory_space<vmem>>
    %dma_start3A_83 = arith.constant 0 : i32
    %dma_start3A_84 = arith.constant 0 : i32
    %dma_start3A_85 = tpu.memref_slice %arg3[%dma_start3A_83, %dma_start3A_84] : memref<100000x32xf32, #tpu.memory_space<hbm>> -> memref<100000x32xf32, #tpu.memory_space<hbm>>
    tpu.enqueue_indirect_dma source(%dma_start3A_85 : memref<100000x32xf32, #tpu.memory_space<hbm>>) target(%dma_start3A_79 : memref<50x32xf32, #tpu.memory_space<vmem>>) offsets(%dma_start3A_82 : memref<50xi32, #tpu.memory_space<vmem>>) semaphore(%arg8 : memref<!tpu.dma_semaphore, #tpu.memory_space<semaphore_mem>>)
    %dma_start3A_86 = arith.constant 7 : i32
    %dma_start3A_87 = arith.constant 7 : i32
    %dma_start3A_88 = arith.constant 0 : i32
    %dma_start3A_89 = arith.constant 0 : i32
    %dma_start3A_90 = tpu.memref_slice %arg6[%dma_start3A_87, %dma_start3A_88, %dma_start3A_89] : memref<32x50x32xf32, #tpu.memory_space<vmem>> -> memref<1x50x32xf32, #tpu.memory_space<vmem>>
    %dma_start3A_91 = tpu.memref_squeeze %dma_start3A_90 : memref<1x50x32xf32, #tpu.memory_space<vmem>> -> memref<50x32xf32, #tpu.memory_space<vmem>>
    %dma_start3A_92 = arith.constant 0 : i32
    %dma_start3A_93 = tpu.memref_slice %arg5[%dma_start3A_86, %dma_start3A_92] : memref<32x50xi32, #tpu.memory_space<vmem>> -> memref<1x50xi32, #tpu.memory_space<vmem>>
    %dma_start3A_94 = tpu.memref_squeeze %dma_start3A_93 : memref<1x50xi32, #tpu.memory_space<vmem>> -> memref<50xi32, #tpu.memory_space<vmem>>
    %dma_start3A_95 = arith.constant 0 : i32
    %dma_start3A_96 = arith.constant 0 : i32
    %dma_start3A_97 = tpu.memref_slice %arg3[%dma_start3A_95, %dma_start3A_96] : memref<100000x32xf32, #tpu.memory_space<hbm>> -> memref<100000x32xf32, #tpu.memory_space<hbm>>
    tpu.enqueue_indirect_dma source(%dma_start3A_97 : memref<100000x32xf32, #tpu.memory_space<hbm>>) target(%dma_start3A_91 : memref<50x32xf32, #tpu.memory_space<vmem>>) offsets(%dma_start3A_94 : memref<50xi32, #tpu.memory_space<vmem>>) semaphore(%arg8 : memref<!tpu.dma_semaphore, #tpu.memory_space<semaphore_mem>>)
    %dma_start3A_98 = arith.constant 8 : i32
    %dma_start3A_99 = arith.constant 8 : i32
    %dma_start3A_100 = arith.constant 0 : i32
    %dma_start3A_101 = arith.constant 0 : i32
    %dma_start3A_102 = tpu.memref_slice %arg6[%dma_start3A_99, %dma_start3A_100, %dma_start3A_101] : memref<32x50x32xf32, #tpu.memory_space<vmem>> -> memref<1x50x32xf32, #tpu.memory_space<vmem>>
    %dma_start3A_103 = tpu.memref_squeeze %dma_start3A_102 : memref<1x50x32xf32, #tpu.memory_space<vmem>> -> memref<50x32xf32, #tpu.memory_space<vmem>>
    %dma_start3A_104 = arith.constant 0 : i32
    %dma_start3A_105 = tpu.memref_slice %arg5[%dma_start3A_98, %dma_start3A_104] : memref<32x50xi32, #tpu.memory_space<vmem>> -> memref<1x50xi32, #tpu.memory_space<vmem>>
    %dma_start3A_106 = tpu.memref_squeeze %dma_start3A_105 : memref<1x50xi32, #tpu.memory_space<vmem>> -> memref<50xi32, #tpu.memory_space<vmem>>
    %dma_start3A_107 = arith.constant 0 : i32
    %dma_start3A_108 = arith.constant 0 : i32
    %dma_start3A_109 = tpu.memref_slice %arg3[%dma_start3A_107, %dma_start3A_108] : memref<100000x32xf32, #tpu.memory_space<hbm>> -> memref<100000x32xf32, #tpu.memory_space<hbm>>
    tpu.enqueue_indirect_dma source(%dma_start3A_109 : memref<100000x32xf32, #tpu.memory_space<hbm>>) target(%dma_start3A_103 : memref<50x32xf32, #tpu.memory_space<vmem>>) offsets(%dma_start3A_106 : memref<50xi32, #tpu.memory_space<vmem>>) semaphore(%arg8 : memref<!tpu.dma_semaphore, #tpu.memory_space<semaphore_mem>>)
    %dma_start3A_110 = arith.constant 9 : i32
    %dma_start3A_111 = arith.constant 9 : i32
    %dma_start3A_112 = arith.constant 0 : i32
    %dma_start3A_113 = arith.constant 0 : i32
    %dma_start3A_114 = tpu.memref_slice %arg6[%dma_start3A_111, %dma_start3A_112, %dma_start3A_113] : memref<32x50x32xf32, #tpu.memory_space<vmem>> -> memref<1x50x32xf32, #tpu.memory_space<vmem>>
    %dma_start3A_115 = tpu.memref_squeeze %dma_start3A_114 : memref<1x50x32xf32, #tpu.memory_space<vmem>> -> memref<50x32xf32, #tpu.memory_space<vmem>>
    %dma_start3A_116 = arith.constant 0 : i32
    %dma_start3A_117 = tpu.memref_slice %arg5[%dma_start3A_110, %dma_start3A_116] : memref<32x50xi32, #tpu.memory_space<vmem>> -> memref<1x50xi32, #tpu.memory_space<vmem>>
    %dma_start3A_118 = tpu.memref_squeeze %dma_start3A_117 : memref<1x50xi32, #tpu.memory_space<vmem>> -> memref<50xi32, #tpu.memory_space<vmem>>
    %dma_start3A_119 = arith.constant 0 : i32
    %dma_start3A_120 = arith.constant 0 : i32
    %dma_start3A_121 = tpu.memref_slice %arg3[%dma_start3A_119, %dma_start3A_120] : memref<100000x32xf32, #tpu.memory_space<hbm>> -> memref<100000x32xf32, #tpu.memory_space<hbm>>
    tpu.enqueue_indirect_dma source(%dma_start3A_121 : memref<100000x32xf32, #tpu.memory_space<hbm>>) target(%dma_start3A_115 : memref<50x32xf32, #tpu.memory_space<vmem>>) offsets(%dma_start3A_118 : memref<50xi32, #tpu.memory_space<vmem>>) semaphore(%arg8 : memref<!tpu.dma_semaphore, #tpu.memory_space<semaphore_mem>>)
    %dma_start3A_122 = arith.constant 10 : i32
    %dma_start3A_123 = arith.constant 10 : i32
    %dma_start3A_124 = arith.constant 0 : i32
    %dma_start3A_125 = arith.constant 0 : i32
    %dma_start3A_126 = tpu.memref_slice %arg6[%dma_start3A_123, %dma_start3A_124, %dma_start3A_125] : memref<32x50x32xf32, #tpu.memory_space<vmem>> -> memref<1x50x32xf32, #tpu.memory_space<vmem>>
    %dma_start3A_127 = tpu.memref_squeeze %dma_start3A_126 : memref<1x50x32xf32, #tpu.memory_space<vmem>> -> memref<50x32xf32, #tpu.memory_space<vmem>>
    %dma_start3A_128 = arith.constant 0 : i32
    %dma_start3A_129 = tpu.memref_slice %arg5[%dma_start3A_122, %dma_start3A_128] : memref<32x50xi32, #tpu.memory_space<vmem>> -> memref<1x50xi32, #tpu.memory_space<vmem>>
    %dma_start3A_130 = tpu.memref_squeeze %dma_start3A_129 : memref<1x50xi32, #tpu.memory_space<vmem>> -> memref<50xi32, #tpu.memory_space<vmem>>
    %dma_start3A_131 = arith.constant 0 : i32
    %dma_start3A_132 = arith.constant 0 : i32
    %dma_start3A_133 = tpu.memref_slice %arg3[%dma_start3A_131, %dma_start3A_132] : memref<100000x32xf32, #tpu.memory_space<hbm>> -> memref<100000x32xf32, #tpu.memory_space<hbm>>
    tpu.enqueue_indirect_dma source(%dma_start3A_133 : memref<100000x32xf32, #tpu.memory_space<hbm>>) target(%dma_start3A_127 : memref<50x32xf32, #tpu.memory_space<vmem>>) offsets(%dma_start3A_130 : memref<50xi32, #tpu.memory_space<vmem>>) semaphore(%arg8 : memref<!tpu.dma_semaphore, #tpu.memory_space<semaphore_mem>>)
    %dma_start3A_134 = arith.constant 11 : i32
    %dma_start3A_135 = arith.constant 11 : i32
    %dma_start3A_136 = arith.constant 0 : i32
    %dma_start3A_137 = arith.constant 0 : i32
    %dma_start3A_138 = tpu.memref_slice %arg6[%dma_start3A_135, %dma_start3A_136, %dma_start3A_137] : memref<32x50x32xf32, #tpu.memory_space<vmem>> -> memref<1x50x32xf32, #tpu.memory_space<vmem>>
    %dma_start3A_139 = tpu.memref_squeeze %dma_start3A_138 : memref<1x50x32xf32, #tpu.memory_space<vmem>> -> memref<50x32xf32, #tpu.memory_space<vmem>>
    %dma_start3A_140 = arith.constant 0 : i32
    %dma_start3A_141 = tpu.memref_slice %arg5[%dma_start3A_134, %dma_start3A_140] : memref<32x50xi32, #tpu.memory_space<vmem>> -> memref<1x50xi32, #tpu.memory_space<vmem>>
    %dma_start3A_142 = tpu.memref_squeeze %dma_start3A_141 : memref<1x50xi32, #tpu.memory_space<vmem>> -> memref<50xi32, #tpu.memory_space<vmem>>
    %dma_start3A_143 = arith.constant 0 : i32
    %dma_start3A_144 = arith.constant 0 : i32
    %dma_start3A_145 = tpu.memref_slice %arg3[%dma_start3A_143, %dma_start3A_144] : memref<100000x32xf32, #tpu.memory_space<hbm>> -> memref<100000x32xf32, #tpu.memory_space<hbm>>
    tpu.enqueue_indirect_dma source(%dma_start3A_145 : memref<100000x32xf32, #tpu.memory_space<hbm>>) target(%dma_start3A_139 : memref<50x32xf32, #tpu.memory_space<vmem>>) offsets(%dma_start3A_142 : memref<50xi32, #tpu.memory_space<vmem>>) semaphore(%arg8 : memref<!tpu.dma_semaphore, #tpu.memory_space<semaphore_mem>>)
    %dma_start3A_146 = arith.constant 12 : i32
    %dma_start3A_147 = arith.constant 12 : i32
    %dma_start3A_148 = arith.constant 0 : i32
    %dma_start3A_149 = arith.constant 0 : i32
    %dma_start3A_150 = tpu.memref_slice %arg6[%dma_start3A_147, %dma_start3A_148, %dma_start3A_149] : memref<32x50x32xf32, #tpu.memory_space<vmem>> -> memref<1x50x32xf32, #tpu.memory_space<vmem>>
    %dma_start3A_151 = tpu.memref_squeeze %dma_start3A_150 : memref<1x50x32xf32, #tpu.memory_space<vmem>> -> memref<50x32xf32, #tpu.memory_space<vmem>>
    %dma_start3A_152 = arith.constant 0 : i32
    %dma_start3A_153 = tpu.memref_slice %arg5[%dma_start3A_146, %dma_start3A_152] : memref<32x50xi32, #tpu.memory_space<vmem>> -> memref<1x50xi32, #tpu.memory_space<vmem>>
    %dma_start3A_154 = tpu.memref_squeeze %dma_start3A_153 : memref<1x50xi32, #tpu.memory_space<vmem>> -> memref<50xi32, #tpu.memory_space<vmem>>
    %dma_start3A_155 = arith.constant 0 : i32
    %dma_start3A_156 = arith.constant 0 : i32
    %dma_start3A_157 = tpu.memref_slice %arg3[%dma_start3A_155, %dma_start3A_156] : memref<100000x32xf32, #tpu.memory_space<hbm>> -> memref<100000x32xf32, #tpu.memory_space<hbm>>
    tpu.enqueue_indirect_dma source(%dma_start3A_157 : memref<100000x32xf32, #tpu.memory_space<hbm>>) target(%dma_start3A_151 : memref<50x32xf32, #tpu.memory_space<vmem>>) offsets(%dma_start3A_154 : memref<50xi32, #tpu.memory_space<vmem>>) semaphore(%arg8 : memref<!tpu.dma_semaphore, #tpu.memory_space<semaphore_mem>>)
    %dma_start3A_158 = arith.constant 13 : i32
    %dma_start3A_159 = arith.constant 13 : i32
    %dma_start3A_160 = arith.constant 0 : i32
    %dma_start3A_161 = arith.constant 0 : i32
    %dma_start3A_162 = tpu.memref_slice %arg6[%dma_start3A_159, %dma_start3A_160, %dma_start3A_161] : memref<32x50x32xf32, #tpu.memory_space<vmem>> -> memref<1x50x32xf32, #tpu.memory_space<vmem>>
    %dma_start3A_163 = tpu.memref_squeeze %dma_start3A_162 : memref<1x50x32xf32, #tpu.memory_space<vmem>> -> memref<50x32xf32, #tpu.memory_space<vmem>>
    %dma_start3A_164 = arith.constant 0 : i32
    %dma_start3A_165 = tpu.memref_slice %arg5[%dma_start3A_158, %dma_start3A_164] : memref<32x50xi32, #tpu.memory_space<vmem>> -> memref<1x50xi32, #tpu.memory_space<vmem>>
    %dma_start3A_166 = tpu.memref_squeeze %dma_start3A_165 : memref<1x50xi32, #tpu.memory_space<vmem>> -> memref<50xi32, #tpu.memory_space<vmem>>
    %dma_start3A_167 = arith.constant 0 : i32
    %dma_start3A_168 = arith.constant 0 : i32
    %dma_start3A_169 = tpu.memref_slice %arg3[%dma_start3A_167, %dma_start3A_168] : memref<100000x32xf32, #tpu.memory_space<hbm>> -> memref<100000x32xf32, #tpu.memory_space<hbm>>
    tpu.enqueue_indirect_dma source(%dma_start3A_169 : memref<100000x32xf32, #tpu.memory_space<hbm>>) target(%dma_start3A_163 : memref<50x32xf32, #tpu.memory_space<vmem>>) offsets(%dma_start3A_166 : memref<50xi32, #tpu.memory_space<vmem>>) semaphore(%arg8 : memref<!tpu.dma_semaphore, #tpu.memory_space<semaphore_mem>>)
    %dma_start3A_170 = arith.constant 14 : i32
    %dma_start3A_171 = arith.constant 14 : i32
    %dma_start3A_172 = arith.constant 0 : i32
    %dma_start3A_173 = arith.constant 0 : i32
    %dma_start3A_174 = tpu.memref_slice %arg6[%dma_start3A_171, %dma_start3A_172, %dma_start3A_173] : memref<32x50x32xf32, #tpu.memory_space<vmem>> -> memref<1x50x32xf32, #tpu.memory_space<vmem>>
    %dma_start3A_175 = tpu.memref_squeeze %dma_start3A_174 : memref<1x50x32xf32, #tpu.memory_space<vmem>> -> memref<50x32xf32, #tpu.memory_space<vmem>>
    %dma_start3A_176 = arith.constant 0 : i32
    %dma_start3A_177 = tpu.memref_slice %arg5[%dma_start3A_170, %dma_start3A_176] : memref<32x50xi32, #tpu.memory_space<vmem>> -> memref<1x50xi32, #tpu.memory_space<vmem>>
    %dma_start3A_178 = tpu.memref_squeeze %dma_start3A_177 : memref<1x50xi32, #tpu.memory_space<vmem>> -> memref<50xi32, #tpu.memory_space<vmem>>
    %dma_start3A_179 = arith.constant 0 : i32
    %dma_start3A_180 = arith.constant 0 : i32
    %dma_start3A_181 = tpu.memref_slice %arg3[%dma_start3A_179, %dma_start3A_180] : memref<100000x32xf32, #tpu.memory_space<hbm>> -> memref<100000x32xf32, #tpu.memory_space<hbm>>
    tpu.enqueue_indirect_dma source(%dma_start3A_181 : memref<100000x32xf32, #tpu.memory_space<hbm>>) target(%dma_start3A_175 : memref<50x32xf32, #tpu.memory_space<vmem>>) offsets(%dma_start3A_178 : memref<50xi32, #tpu.memory_space<vmem>>) semaphore(%arg8 : memref<!tpu.dma_semaphore, #tpu.memory_space<semaphore_mem>>)
    %dma_start3A_182 = arith.constant 15 : i32
    %dma_start3A_183 = arith.constant 15 : i32
    %dma_start3A_184 = arith.constant 0 : i32
    %dma_start3A_185 = arith.constant 0 : i32
    %dma_start3A_186 = tpu.memref_slice %arg6[%dma_start3A_183, %dma_start3A_184, %dma_start3A_185] : memref<32x50x32xf32, #tpu.memory_space<vmem>> -> memref<1x50x32xf32, #tpu.memory_space<vmem>>
    %dma_start3A_187 = tpu.memref_squeeze %dma_start3A_186 : memref<1x50x32xf32, #tpu.memory_space<vmem>> -> memref<50x32xf32, #tpu.memory_space<vmem>>
    %dma_start3A_188 = arith.constant 0 : i32
    %dma_start3A_189 = tpu.memref_slice %arg5[%dma_start3A_182, %dma_start3A_188] : memref<32x50xi32, #tpu.memory_space<vmem>> -> memref<1x50xi32, #tpu.memory_space<vmem>>
    %dma_start3A_190 = tpu.memref_squeeze %dma_start3A_189 : memref<1x50xi32, #tpu.memory_space<vmem>> -> memref<50xi32, #tpu.memory_space<vmem>>
    %dma_start3A_191 = arith.constant 0 : i32
    %dma_start3A_192 = arith.constant 0 : i32
    %dma_start3A_193 = tpu.memref_slice %arg3[%dma_start3A_191, %dma_start3A_192] : memref<100000x32xf32, #tpu.memory_space<hbm>> -> memref<100000x32xf32, #tpu.memory_space<hbm>>
    tpu.enqueue_indirect_dma source(%dma_start3A_193 : memref<100000x32xf32, #tpu.memory_space<hbm>>) target(%dma_start3A_187 : memref<50x32xf32, #tpu.memory_space<vmem>>) offsets(%dma_start3A_190 : memref<50xi32, #tpu.memory_space<vmem>>) semaphore(%arg8 : memref<!tpu.dma_semaphore, #tpu.memory_space<semaphore_mem>>)
    %dma_wait3A = arith.constant 0 : i32
    %dma_wait3A_194 = arith.constant 0 : i32
    %dma_wait3A_195 = arith.constant 0 : i32
    %dma_wait3A_196 = arith.constant 0 : i32
    %dma_wait3A_197 = tpu.memref_slice %arg6[%dma_wait3A_194, %dma_wait3A_195, %dma_wait3A_196] : memref<32x50x32xf32, #tpu.memory_space<vmem>> -> memref<1x50x32xf32, #tpu.memory_space<vmem>>
    %dma_wait3A_198 = tpu.memref_squeeze %dma_wait3A_197 : memref<1x50x32xf32, #tpu.memory_space<vmem>> -> memref<50x32xf32, #tpu.memory_space<vmem>>
    %dma_wait3A_199 = arith.constant 0 : i32
    %dma_wait3A_200 = tpu.memref_slice %arg5[%dma_wait3A, %dma_wait3A_199] : memref<32x50xi32, #tpu.memory_space<vmem>> -> memref<1x50xi32, #tpu.memory_space<vmem>>
    %dma_wait3A_201 = tpu.memref_squeeze %dma_wait3A_200 : memref<1x50xi32, #tpu.memory_space<vmem>> -> memref<50xi32, #tpu.memory_space<vmem>>
    %dma_wait3A_202 = arith.constant 0 : i32
    %dma_wait3A_203 = arith.constant 0 : i32
    %dma_wait3A_204 = tpu.memref_slice %arg3[%dma_wait3A_202, %dma_wait3A_203] : memref<100000x32xf32, #tpu.memory_space<hbm>> -> memref<100000x32xf32, #tpu.memory_space<hbm>>
    tpu.wait_indirect_dma semaphore(%arg8 : memref<!tpu.dma_semaphore, #tpu.memory_space<semaphore_mem>>) src(%dma_wait3A_204 : memref<100000x32xf32, #tpu.memory_space<hbm>>) dst(%dma_wait3A_198 : memref<50x32xf32, #tpu.memory_space<vmem>>)
    %dma_wait3A_205 = arith.constant 1 : i32
    %dma_wait3A_206 = arith.constant 1 : i32
    %dma_wait3A_207 = arith.constant 0 : i32
    %dma_wait3A_208 = arith.constant 0 : i32
    %dma_wait3A_209 = tpu.memref_slice %arg6[%dma_wait3A_206, %dma_wait3A_207, %dma_wait3A_208] : memref<32x50x32xf32, #tpu.memory_space<vmem>> -> memref<1x50x32xf32, #tpu.memory_space<vmem>>
    %dma_wait3A_210 = tpu.memref_squeeze %dma_wait3A_209 : memref<1x50x32xf32, #tpu.memory_space<vmem>> -> memref<50x32xf32, #tpu.memory_space<vmem>>
    %dma_wait3A_211 = arith.constant 0 : i32
    %dma_wait3A_212 = tpu.memref_slice %arg5[%dma_wait3A_205, %dma_wait3A_211] : memref<32x50xi32, #tpu.memory_space<vmem>> -> memref<1x50xi32, #tpu.memory_space<vmem>>
    %dma_wait3A_213 = tpu.memref_squeeze %dma_wait3A_212 : memref<1x50xi32, #tpu.memory_space<vmem>> -> memref<50xi32, #tpu.memory_space<vmem>>
    %dma_wait3A_214 = arith.constant 0 : i32
    %dma_wait3A_215 = arith.constant 0 : i32
    %dma_wait3A_216 = tpu.memref_slice %arg3[%dma_wait3A_214, %dma_wait3A_215] : memref<100000x32xf32, #tpu.memory_space<hbm>> -> memref<100000x32xf32, #tpu.memory_space<hbm>>
    tpu.wait_indirect_dma semaphore(%arg8 : memref<!tpu.dma_semaphore, #tpu.memory_space<semaphore_mem>>) src(%dma_wait3A_216 : memref<100000x32xf32, #tpu.memory_space<hbm>>) dst(%dma_wait3A_210 : memref<50x32xf32, #tpu.memory_space<vmem>>)
    %dma_wait3A_217 = arith.constant 2 : i32
    %dma_wait3A_218 = arith.constant 2 : i32
    %dma_wait3A_219 = arith.constant 0 : i32
    %dma_wait3A_220 = arith.constant 0 : i32
    %dma_wait3A_221 = tpu.memref_slice %arg6[%dma_wait3A_218, %dma_wait3A_219, %dma_wait3A_220] : memref<32x50x32xf32, #tpu.memory_space<vmem>> -> memref<1x50x32xf32, #tpu.memory_space<vmem>>
    %dma_wait3A_222 = tpu.memref_squeeze %dma_wait3A_221 : memref<1x50x32xf32, #tpu.memory_space<vmem>> -> memref<50x32xf32, #tpu.memory_space<vmem>>
    %dma_wait3A_223 = arith.constant 0 : i32
    %dma_wait3A_224 = tpu.memref_slice %arg5[%dma_wait3A_217, %dma_wait3A_223] : memref<32x50xi32, #tpu.memory_space<vmem>> -> memref<1x50xi32, #tpu.memory_space<vmem>>
    %dma_wait3A_225 = tpu.memref_squeeze %dma_wait3A_224 : memref<1x50xi32, #tpu.memory_space<vmem>> -> memref<50xi32, #tpu.memory_space<vmem>>
    %dma_wait3A_226 = arith.constant 0 : i32
    %dma_wait3A_227 = arith.constant 0 : i32
    %dma_wait3A_228 = tpu.memref_slice %arg3[%dma_wait3A_226, %dma_wait3A_227] : memref<100000x32xf32, #tpu.memory_space<hbm>> -> memref<100000x32xf32, #tpu.memory_space<hbm>>
    tpu.wait_indirect_dma semaphore(%arg8 : memref<!tpu.dma_semaphore, #tpu.memory_space<semaphore_mem>>) src(%dma_wait3A_228 : memref<100000x32xf32, #tpu.memory_space<hbm>>) dst(%dma_wait3A_222 : memref<50x32xf32, #tpu.memory_space<vmem>>)
    %dma_wait3A_229 = arith.constant 3 : i32
    %dma_wait3A_230 = arith.constant 3 : i32
    %dma_wait3A_231 = arith.constant 0 : i32
    %dma_wait3A_232 = arith.constant 0 : i32
    %dma_wait3A_233 = tpu.memref_slice %arg6[%dma_wait3A_230, %dma_wait3A_231, %dma_wait3A_232] : memref<32x50x32xf32, #tpu.memory_space<vmem>> -> memref<1x50x32xf32, #tpu.memory_space<vmem>>
    %dma_wait3A_234 = tpu.memref_squeeze %dma_wait3A_233 : memref<1x50x32xf32, #tpu.memory_space<vmem>> -> memref<50x32xf32, #tpu.memory_space<vmem>>
    %dma_wait3A_235 = arith.constant 0 : i32
    %dma_wait3A_236 = tpu.memref_slice %arg5[%dma_wait3A_229, %dma_wait3A_235] : memref<32x50xi32, #tpu.memory_space<vmem>> -> memref<1x50xi32, #tpu.memory_space<vmem>>
    %dma_wait3A_237 = tpu.memref_squeeze %dma_wait3A_236 : memref<1x50xi32, #tpu.memory_space<vmem>> -> memref<50xi32, #tpu.memory_space<vmem>>
    %dma_wait3A_238 = arith.constant 0 : i32
    %dma_wait3A_239 = arith.constant 0 : i32
    %dma_wait3A_240 = tpu.memref_slice %arg3[%dma_wait3A_238, %dma_wait3A_239] : memref<100000x32xf32, #tpu.memory_space<hbm>> -> memref<100000x32xf32, #tpu.memory_space<hbm>>
    tpu.wait_indirect_dma semaphore(%arg8 : memref<!tpu.dma_semaphore, #tpu.memory_space<semaphore_mem>>) src(%dma_wait3A_240 : memref<100000x32xf32, #tpu.memory_space<hbm>>) dst(%dma_wait3A_234 : memref<50x32xf32, #tpu.memory_space<vmem>>)
    %dma_wait3A_241 = arith.constant 4 : i32
    %dma_wait3A_242 = arith.constant 4 : i32
    %dma_wait3A_243 = arith.constant 0 : i32
    %dma_wait3A_244 = arith.constant 0 : i32
    %dma_wait3A_245 = tpu.memref_slice %arg6[%dma_wait3A_242, %dma_wait3A_243, %dma_wait3A_244] : memref<32x50x32xf32, #tpu.memory_space<vmem>> -> memref<1x50x32xf32, #tpu.memory_space<vmem>>
    %dma_wait3A_246 = tpu.memref_squeeze %dma_wait3A_245 : memref<1x50x32xf32, #tpu.memory_space<vmem>> -> memref<50x32xf32, #tpu.memory_space<vmem>>
    %dma_wait3A_247 = arith.constant 0 : i32
    %dma_wait3A_248 = tpu.memref_slice %arg5[%dma_wait3A_241, %dma_wait3A_247] : memref<32x50xi32, #tpu.memory_space<vmem>> -> memref<1x50xi32, #tpu.memory_space<vmem>>
    %dma_wait3A_249 = tpu.memref_squeeze %dma_wait3A_248 : memref<1x50xi32, #tpu.memory_space<vmem>> -> memref<50xi32, #tpu.memory_space<vmem>>
    %dma_wait3A_250 = arith.constant 0 : i32
    %dma_wait3A_251 = arith.constant 0 : i32
    %dma_wait3A_252 = tpu.memref_slice %arg3[%dma_wait3A_250, %dma_wait3A_251] : memref<100000x32xf32, #tpu.memory_space<hbm>> -> memref<100000x32xf32, #tpu.memory_space<hbm>>
    tpu.wait_indirect_dma semaphore(%arg8 : memref<!tpu.dma_semaphore, #tpu.memory_space<semaphore_mem>>) src(%dma_wait3A_252 : memref<100000x32xf32, #tpu.memory_space<hbm>>) dst(%dma_wait3A_246 : memref<50x32xf32, #tpu.memory_space<vmem>>)
    %dma_wait3A_253 = arith.constant 5 : i32
    %dma_wait3A_254 = arith.constant 5 : i32
    %dma_wait3A_255 = arith.constant 0 : i32
    %dma_wait3A_256 = arith.constant 0 : i32
    %dma_wait3A_257 = tpu.memref_slice %arg6[%dma_wait3A_254, %dma_wait3A_255, %dma_wait3A_256] : memref<32x50x32xf32, #tpu.memory_space<vmem>> -> memref<1x50x32xf32, #tpu.memory_space<vmem>>
    %dma_wait3A_258 = tpu.memref_squeeze %dma_wait3A_257 : memref<1x50x32xf32, #tpu.memory_space<vmem>> -> memref<50x32xf32, #tpu.memory_space<vmem>>
    %dma_wait3A_259 = arith.constant 0 : i32
    %dma_wait3A_260 = tpu.memref_slice %arg5[%dma_wait3A_253, %dma_wait3A_259] : memref<32x50xi32, #tpu.memory_space<vmem>> -> memref<1x50xi32, #tpu.memory_space<vmem>>
    %dma_wait3A_261 = tpu.memref_squeeze %dma_wait3A_260 : memref<1x50xi32, #tpu.memory_space<vmem>> -> memref<50xi32, #tpu.memory_space<vmem>>
    %dma_wait3A_262 = arith.constant 0 : i32
    %dma_wait3A_263 = arith.constant 0 : i32
    %dma_wait3A_264 = tpu.memref_slice %arg3[%dma_wait3A_262, %dma_wait3A_263] : memref<100000x32xf32, #tpu.memory_space<hbm>> -> memref<100000x32xf32, #tpu.memory_space<hbm>>
    tpu.wait_indirect_dma semaphore(%arg8 : memref<!tpu.dma_semaphore, #tpu.memory_space<semaphore_mem>>) src(%dma_wait3A_264 : memref<100000x32xf32, #tpu.memory_space<hbm>>) dst(%dma_wait3A_258 : memref<50x32xf32, #tpu.memory_space<vmem>>)
    %dma_wait3A_265 = arith.constant 6 : i32
    %dma_wait3A_266 = arith.constant 6 : i32
    %dma_wait3A_267 = arith.constant 0 : i32
    %dma_wait3A_268 = arith.constant 0 : i32
    %dma_wait3A_269 = tpu.memref_slice %arg6[%dma_wait3A_266, %dma_wait3A_267, %dma_wait3A_268] : memref<32x50x32xf32, #tpu.memory_space<vmem>> -> memref<1x50x32xf32, #tpu.memory_space<vmem>>
    %dma_wait3A_270 = tpu.memref_squeeze %dma_wait3A_269 : memref<1x50x32xf32, #tpu.memory_space<vmem>> -> memref<50x32xf32, #tpu.memory_space<vmem>>
    %dma_wait3A_271 = arith.constant 0 : i32
    %dma_wait3A_272 = tpu.memref_slice %arg5[%dma_wait3A_265, %dma_wait3A_271] : memref<32x50xi32, #tpu.memory_space<vmem>> -> memref<1x50xi32, #tpu.memory_space<vmem>>
    %dma_wait3A_273 = tpu.memref_squeeze %dma_wait3A_272 : memref<1x50xi32, #tpu.memory_space<vmem>> -> memref<50xi32, #tpu.memory_space<vmem>>
    %dma_wait3A_274 = arith.constant 0 : i32
    %dma_wait3A_275 = arith.constant 0 : i32
    %dma_wait3A_276 = tpu.memref_slice %arg3[%dma_wait3A_274, %dma_wait3A_275] : memref<100000x32xf32, #tpu.memory_space<hbm>> -> memref<100000x32xf32, #tpu.memory_space<hbm>>
    tpu.wait_indirect_dma semaphore(%arg8 : memref<!tpu.dma_semaphore, #tpu.memory_space<semaphore_mem>>) src(%dma_wait3A_276 : memref<100000x32xf32, #tpu.memory_space<hbm>>) dst(%dma_wait3A_270 : memref<50x32xf32, #tpu.memory_space<vmem>>)
    %dma_wait3A_277 = arith.constant 7 : i32
    %dma_wait3A_278 = arith.constant 7 : i32
    %dma_wait3A_279 = arith.constant 0 : i32
    %dma_wait3A_280 = arith.constant 0 : i32
    %dma_wait3A_281 = tpu.memref_slice %arg6[%dma_wait3A_278, %dma_wait3A_279, %dma_wait3A_280] : memref<32x50x32xf32, #tpu.memory_space<vmem>> -> memref<1x50x32xf32, #tpu.memory_space<vmem>>
    %dma_wait3A_282 = tpu.memref_squeeze %dma_wait3A_281 : memref<1x50x32xf32, #tpu.memory_space<vmem>> -> memref<50x32xf32, #tpu.memory_space<vmem>>
    %dma_wait3A_283 = arith.constant 0 : i32
    %dma_wait3A_284 = tpu.memref_slice %arg5[%dma_wait3A_277, %dma_wait3A_283] : memref<32x50xi32, #tpu.memory_space<vmem>> -> memref<1x50xi32, #tpu.memory_space<vmem>>
    %dma_wait3A_285 = tpu.memref_squeeze %dma_wait3A_284 : memref<1x50xi32, #tpu.memory_space<vmem>> -> memref<50xi32, #tpu.memory_space<vmem>>
    %dma_wait3A_286 = arith.constant 0 : i32
    %dma_wait3A_287 = arith.constant 0 : i32
    %dma_wait3A_288 = tpu.memref_slice %arg3[%dma_wait3A_286, %dma_wait3A_287] : memref<100000x32xf32, #tpu.memory_space<hbm>> -> memref<100000x32xf32, #tpu.memory_space<hbm>>
    tpu.wait_indirect_dma semaphore(%arg8 : memref<!tpu.dma_semaphore, #tpu.memory_space<semaphore_mem>>) src(%dma_wait3A_288 : memref<100000x32xf32, #tpu.memory_space<hbm>>) dst(%dma_wait3A_282 : memref<50x32xf32, #tpu.memory_space<vmem>>)
    %dma_wait3A_289 = arith.constant 8 : i32
    %dma_wait3A_290 = arith.constant 8 : i32
    %dma_wait3A_291 = arith.constant 0 : i32
    %dma_wait3A_292 = arith.constant 0 : i32
    %dma_wait3A_293 = tpu.memref_slice %arg6[%dma_wait3A_290, %dma_wait3A_291, %dma_wait3A_292] : memref<32x50x32xf32, #tpu.memory_space<vmem>> -> memref<1x50x32xf32, #tpu.memory_space<vmem>>
    %dma_wait3A_294 = tpu.memref_squeeze %dma_wait3A_293 : memref<1x50x32xf32, #tpu.memory_space<vmem>> -> memref<50x32xf32, #tpu.memory_space<vmem>>
    %dma_wait3A_295 = arith.constant 0 : i32
    %dma_wait3A_296 = tpu.memref_slice %arg5[%dma_wait3A_289, %dma_wait3A_295] : memref<32x50xi32, #tpu.memory_space<vmem>> -> memref<1x50xi32, #tpu.memory_space<vmem>>
    %dma_wait3A_297 = tpu.memref_squeeze %dma_wait3A_296 : memref<1x50xi32, #tpu.memory_space<vmem>> -> memref<50xi32, #tpu.memory_space<vmem>>
    %dma_wait3A_298 = arith.constant 0 : i32
    %dma_wait3A_299 = arith.constant 0 : i32
    %dma_wait3A_300 = tpu.memref_slice %arg3[%dma_wait3A_298, %dma_wait3A_299] : memref<100000x32xf32, #tpu.memory_space<hbm>> -> memref<100000x32xf32, #tpu.memory_space<hbm>>
    tpu.wait_indirect_dma semaphore(%arg8 : memref<!tpu.dma_semaphore, #tpu.memory_space<semaphore_mem>>) src(%dma_wait3A_300 : memref<100000x32xf32, #tpu.memory_space<hbm>>) dst(%dma_wait3A_294 : memref<50x32xf32, #tpu.memory_space<vmem>>)
    %dma_wait3A_301 = arith.constant 9 : i32
    %dma_wait3A_302 = arith.constant 9 : i32
    %dma_wait3A_303 = arith.constant 0 : i32
    %dma_wait3A_304 = arith.constant 0 : i32
    %dma_wait3A_305 = tpu.memref_slice %arg6[%dma_wait3A_302, %dma_wait3A_303, %dma_wait3A_304] : memref<32x50x32xf32, #tpu.memory_space<vmem>> -> memref<1x50x32xf32, #tpu.memory_space<vmem>>
    %dma_wait3A_306 = tpu.memref_squeeze %dma_wait3A_305 : memref<1x50x32xf32, #tpu.memory_space<vmem>> -> memref<50x32xf32, #tpu.memory_space<vmem>>
    %dma_wait3A_307 = arith.constant 0 : i32
    %dma_wait3A_308 = tpu.memref_slice %arg5[%dma_wait3A_301, %dma_wait3A_307] : memref<32x50xi32, #tpu.memory_space<vmem>> -> memref<1x50xi32, #tpu.memory_space<vmem>>
    %dma_wait3A_309 = tpu.memref_squeeze %dma_wait3A_308 : memref<1x50xi32, #tpu.memory_space<vmem>> -> memref<50xi32, #tpu.memory_space<vmem>>
    %dma_wait3A_310 = arith.constant 0 : i32
    %dma_wait3A_311 = arith.constant 0 : i32
    %dma_wait3A_312 = tpu.memref_slice %arg3[%dma_wait3A_310, %dma_wait3A_311] : memref<100000x32xf32, #tpu.memory_space<hbm>> -> memref<100000x32xf32, #tpu.memory_space<hbm>>
    tpu.wait_indirect_dma semaphore(%arg8 : memref<!tpu.dma_semaphore, #tpu.memory_space<semaphore_mem>>) src(%dma_wait3A_312 : memref<100000x32xf32, #tpu.memory_space<hbm>>) dst(%dma_wait3A_306 : memref<50x32xf32, #tpu.memory_space<vmem>>)
    %dma_wait3A_313 = arith.constant 10 : i32
    %dma_wait3A_314 = arith.constant 10 : i32
    %dma_wait3A_315 = arith.constant 0 : i32
    %dma_wait3A_316 = arith.constant 0 : i32
    %dma_wait3A_317 = tpu.memref_slice %arg6[%dma_wait3A_314, %dma_wait3A_315, %dma_wait3A_316] : memref<32x50x32xf32, #tpu.memory_space<vmem>> -> memref<1x50x32xf32, #tpu.memory_space<vmem>>
    %dma_wait3A_318 = tpu.memref_squeeze %dma_wait3A_317 : memref<1x50x32xf32, #tpu.memory_space<vmem>> -> memref<50x32xf32, #tpu.memory_space<vmem>>
    %dma_wait3A_319 = arith.constant 0 : i32
    %dma_wait3A_320 = tpu.memref_slice %arg5[%dma_wait3A_313, %dma_wait3A_319] : memref<32x50xi32, #tpu.memory_space<vmem>> -> memref<1x50xi32, #tpu.memory_space<vmem>>
    %dma_wait3A_321 = tpu.memref_squeeze %dma_wait3A_320 : memref<1x50xi32, #tpu.memory_space<vmem>> -> memref<50xi32, #tpu.memory_space<vmem>>
    %dma_wait3A_322 = arith.constant 0 : i32
    %dma_wait3A_323 = arith.constant 0 : i32
    %dma_wait3A_324 = tpu.memref_slice %arg3[%dma_wait3A_322, %dma_wait3A_323] : memref<100000x32xf32, #tpu.memory_space<hbm>> -> memref<100000x32xf32, #tpu.memory_space<hbm>>
    tpu.wait_indirect_dma semaphore(%arg8 : memref<!tpu.dma_semaphore, #tpu.memory_space<semaphore_mem>>) src(%dma_wait3A_324 : memref<100000x32xf32, #tpu.memory_space<hbm>>) dst(%dma_wait3A_318 : memref<50x32xf32, #tpu.memory_space<vmem>>)
    %dma_wait3A_325 = arith.constant 11 : i32
    %dma_wait3A_326 = arith.constant 11 : i32
    %dma_wait3A_327 = arith.constant 0 : i32
    %dma_wait3A_328 = arith.constant 0 : i32
    %dma_wait3A_329 = tpu.memref_slice %arg6[%dma_wait3A_326, %dma_wait3A_327, %dma_wait3A_328] : memref<32x50x32xf32, #tpu.memory_space<vmem>> -> memref<1x50x32xf32, #tpu.memory_space<vmem>>
    %dma_wait3A_330 = tpu.memref_squeeze %dma_wait3A_329 : memref<1x50x32xf32, #tpu.memory_space<vmem>> -> memref<50x32xf32, #tpu.memory_space<vmem>>
    %dma_wait3A_331 = arith.constant 0 : i32
    %dma_wait3A_332 = tpu.memref_slice %arg5[%dma_wait3A_325, %dma_wait3A_331] : memref<32x50xi32, #tpu.memory_space<vmem>> -> memref<1x50xi32, #tpu.memory_space<vmem>>
    %dma_wait3A_333 = tpu.memref_squeeze %dma_wait3A_332 : memref<1x50xi32, #tpu.memory_space<vmem>> -> memref<50xi32, #tpu.memory_space<vmem>>
    %dma_wait3A_334 = arith.constant 0 : i32
    %dma_wait3A_335 = arith.constant 0 : i32
    %dma_wait3A_336 = tpu.memref_slice %arg3[%dma_wait3A_334, %dma_wait3A_335] : memref<100000x32xf32, #tpu.memory_space<hbm>> -> memref<100000x32xf32, #tpu.memory_space<hbm>>
    tpu.wait_indirect_dma semaphore(%arg8 : memref<!tpu.dma_semaphore, #tpu.memory_space<semaphore_mem>>) src(%dma_wait3A_336 : memref<100000x32xf32, #tpu.memory_space<hbm>>) dst(%dma_wait3A_330 : memref<50x32xf32, #tpu.memory_space<vmem>>)
    %dma_wait3A_337 = arith.constant 12 : i32
    %dma_wait3A_338 = arith.constant 12 : i32
    %dma_wait3A_339 = arith.constant 0 : i32
    %dma_wait3A_340 = arith.constant 0 : i32
    %dma_wait3A_341 = tpu.memref_slice %arg6[%dma_wait3A_338, %dma_wait3A_339, %dma_wait3A_340] : memref<32x50x32xf32, #tpu.memory_space<vmem>> -> memref<1x50x32xf32, #tpu.memory_space<vmem>>
    %dma_wait3A_342 = tpu.memref_squeeze %dma_wait3A_341 : memref<1x50x32xf32, #tpu.memory_space<vmem>> -> memref<50x32xf32, #tpu.memory_space<vmem>>
    %dma_wait3A_343 = arith.constant 0 : i32
    %dma_wait3A_344 = tpu.memref_slice %arg5[%dma_wait3A_337, %dma_wait3A_343] : memref<32x50xi32, #tpu.memory_space<vmem>> -> memref<1x50xi32, #tpu.memory_space<vmem>>
    %dma_wait3A_345 = tpu.memref_squeeze %dma_wait3A_344 : memref<1x50xi32, #tpu.memory_space<vmem>> -> memref<50xi32, #tpu.memory_space<vmem>>
    %dma_wait3A_346 = arith.constant 0 : i32
    %dma_wait3A_347 = arith.constant 0 : i32
    %dma_wait3A_348 = tpu.memref_slice %arg3[%dma_wait3A_346, %dma_wait3A_347] : memref<100000x32xf32, #tpu.memory_space<hbm>> -> memref<100000x32xf32, #tpu.memory_space<hbm>>
    tpu.wait_indirect_dma semaphore(%arg8 : memref<!tpu.dma_semaphore, #tpu.memory_space<semaphore_mem>>) src(%dma_wait3A_348 : memref<100000x32xf32, #tpu.memory_space<hbm>>) dst(%dma_wait3A_342 : memref<50x32xf32, #tpu.memory_space<vmem>>)
    %dma_wait3A_349 = arith.constant 13 : i32
    %dma_wait3A_350 = arith.constant 13 : i32
    %dma_wait3A_351 = arith.constant 0 : i32
    %dma_wait3A_352 = arith.constant 0 : i32
    %dma_wait3A_353 = tpu.memref_slice %arg6[%dma_wait3A_350, %dma_wait3A_351, %dma_wait3A_352] : memref<32x50x32xf32, #tpu.memory_space<vmem>> -> memref<1x50x32xf32, #tpu.memory_space<vmem>>
    %dma_wait3A_354 = tpu.memref_squeeze %dma_wait3A_353 : memref<1x50x32xf32, #tpu.memory_space<vmem>> -> memref<50x32xf32, #tpu.memory_space<vmem>>
    %dma_wait3A_355 = arith.constant 0 : i32
    %dma_wait3A_356 = tpu.memref_slice %arg5[%dma_wait3A_349, %dma_wait3A_355] : memref<32x50xi32, #tpu.memory_space<vmem>> -> memref<1x50xi32, #tpu.memory_space<vmem>>
    %dma_wait3A_357 = tpu.memref_squeeze %dma_wait3A_356 : memref<1x50xi32, #tpu.memory_space<vmem>> -> memref<50xi32, #tpu.memory_space<vmem>>
    %dma_wait3A_358 = arith.constant 0 : i32
    %dma_wait3A_359 = arith.constant 0 : i32
    %dma_wait3A_360 = tpu.memref_slice %arg3[%dma_wait3A_358, %dma_wait3A_359] : memref<100000x32xf32, #tpu.memory_space<hbm>> -> memref<100000x32xf32, #tpu.memory_space<hbm>>
    tpu.wait_indirect_dma semaphore(%arg8 : memref<!tpu.dma_semaphore, #tpu.memory_space<semaphore_mem>>) src(%dma_wait3A_360 : memref<100000x32xf32, #tpu.memory_space<hbm>>) dst(%dma_wait3A_354 : memref<50x32xf32, #tpu.memory_space<vmem>>)
    %dma_wait3A_361 = arith.constant 14 : i32
    %dma_wait3A_362 = arith.constant 14 : i32
    %dma_wait3A_363 = arith.constant 0 : i32
    %dma_wait3A_364 = arith.constant 0 : i32
    %dma_wait3A_365 = tpu.memref_slice %arg6[%dma_wait3A_362, %dma_wait3A_363, %dma_wait3A_364] : memref<32x50x32xf32, #tpu.memory_space<vmem>> -> memref<1x50x32xf32, #tpu.memory_space<vmem>>
    %dma_wait3A_366 = tpu.memref_squeeze %dma_wait3A_365 : memref<1x50x32xf32, #tpu.memory_space<vmem>> -> memref<50x32xf32, #tpu.memory_space<vmem>>
    %dma_wait3A_367 = arith.constant 0 : i32
    %dma_wait3A_368 = tpu.memref_slice %arg5[%dma_wait3A_361, %dma_wait3A_367] : memref<32x50xi32, #tpu.memory_space<vmem>> -> memref<1x50xi32, #tpu.memory_space<vmem>>
    %dma_wait3A_369 = tpu.memref_squeeze %dma_wait3A_368 : memref<1x50xi32, #tpu.memory_space<vmem>> -> memref<50xi32, #tpu.memory_space<vmem>>
    %dma_wait3A_370 = arith.constant 0 : i32
    %dma_wait3A_371 = arith.constant 0 : i32
    %dma_wait3A_372 = tpu.memref_slice %arg3[%dma_wait3A_370, %dma_wait3A_371] : memref<100000x32xf32, #tpu.memory_space<hbm>> -> memref<100000x32xf32, #tpu.memory_space<hbm>>
    tpu.wait_indirect_dma semaphore(%arg8 : memref<!tpu.dma_semaphore, #tpu.memory_space<semaphore_mem>>) src(%dma_wait3A_372 : memref<100000x32xf32, #tpu.memory_space<hbm>>) dst(%dma_wait3A_366 : memref<50x32xf32, #tpu.memory_space<vmem>>)
    %dma_wait3A_373 = arith.constant 15 : i32
    %dma_wait3A_374 = arith.constant 15 : i32
    %dma_wait3A_375 = arith.constant 0 : i32
    %dma_wait3A_376 = arith.constant 0 : i32
    %dma_wait3A_377 = tpu.memref_slice %arg6[%dma_wait3A_374, %dma_wait3A_375, %dma_wait3A_376] : memref<32x50x32xf32, #tpu.memory_space<vmem>> -> memref<1x50x32xf32, #tpu.memory_space<vmem>>
    %dma_wait3A_378 = tpu.memref_squeeze %dma_wait3A_377 : memref<1x50x32xf32, #tpu.memory_space<vmem>> -> memref<50x32xf32, #tpu.memory_space<vmem>>
    %dma_wait3A_379 = arith.constant 0 : i32
    %dma_wait3A_380 = tpu.memref_slice %arg5[%dma_wait3A_373, %dma_wait3A_379] : memref<32x50xi32, #tpu.memory_space<vmem>> -> memref<1x50xi32, #tpu.memory_space<vmem>>
    %dma_wait3A_381 = tpu.memref_squeeze %dma_wait3A_380 : memref<1x50xi32, #tpu.memory_space<vmem>> -> memref<50xi32, #tpu.memory_space<vmem>>
    %dma_wait3A_382 = arith.constant 0 : i32
    %dma_wait3A_383 = arith.constant 0 : i32
    %dma_wait3A_384 = tpu.memref_slice %arg3[%dma_wait3A_382, %dma_wait3A_383] : memref<100000x32xf32, #tpu.memory_space<hbm>> -> memref<100000x32xf32, #tpu.memory_space<hbm>>
    tpu.wait_indirect_dma semaphore(%arg8 : memref<!tpu.dma_semaphore, #tpu.memory_space<semaphore_mem>>) src(%dma_wait3A_384 : memref<100000x32xf32, #tpu.memory_space<hbm>>) dst(%dma_wait3A_378 : memref<50x32xf32, #tpu.memory_space<vmem>>)
    %dma_start3A_385 = arith.constant 16 : i32
    %dma_start3A_386 = arith.constant 16 : i32
    %dma_start3A_387 = arith.constant 0 : i32
    %dma_start3A_388 = arith.constant 0 : i32
    %dma_start3A_389 = tpu.memref_slice %arg6[%dma_start3A_386, %dma_start3A_387, %dma_start3A_388] : memref<32x50x32xf32, #tpu.memory_space<vmem>> -> memref<1x50x32xf32, #tpu.memory_space<vmem>>
    %dma_start3A_390 = tpu.memref_squeeze %dma_start3A_389 : memref<1x50x32xf32, #tpu.memory_space<vmem>> -> memref<50x32xf32, #tpu.memory_space<vmem>>
    %dma_start3A_391 = arith.constant 0 : i32
    %dma_start3A_392 = tpu.memref_slice %arg5[%dma_start3A_385, %dma_start3A_391] : memref<32x50xi32, #tpu.memory_space<vmem>> -> memref<1x50xi32, #tpu.memory_space<vmem>>
    %dma_start3A_393 = tpu.memref_squeeze %dma_start3A_392 : memref<1x50xi32, #tpu.memory_space<vmem>> -> memref<50xi32, #tpu.memory_space<vmem>>
    %dma_start3A_394 = arith.constant 0 : i32
    %dma_start3A_395 = arith.constant 0 : i32
    %dma_start3A_396 = tpu.memref_slice %arg3[%dma_start3A_394, %dma_start3A_395] : memref<100000x32xf32, #tpu.memory_space<hbm>> -> memref<100000x32xf32, #tpu.memory_space<hbm>>
    tpu.enqueue_indirect_dma source(%dma_start3A_396 : memref<100000x32xf32, #tpu.memory_space<hbm>>) target(%dma_start3A_390 : memref<50x32xf32, #tpu.memory_space<vmem>>) offsets(%dma_start3A_393 : memref<50xi32, #tpu.memory_space<vmem>>) semaphore(%arg8 : memref<!tpu.dma_semaphore, #tpu.memory_space<semaphore_mem>>)
    %dma_start3A_397 = arith.constant 17 : i32
    %dma_start3A_398 = arith.constant 17 : i32
    %dma_start3A_399 = arith.constant 0 : i32
    %dma_start3A_400 = arith.constant 0 : i32
    %dma_start3A_401 = tpu.memref_slice %arg6[%dma_start3A_398, %dma_start3A_399, %dma_start3A_400] : memref<32x50x32xf32, #tpu.memory_space<vmem>> -> memref<1x50x32xf32, #tpu.memory_space<vmem>>
    %dma_start3A_402 = tpu.memref_squeeze %dma_start3A_401 : memref<1x50x32xf32, #tpu.memory_space<vmem>> -> memref<50x32xf32, #tpu.memory_space<vmem>>
    %dma_start3A_403 = arith.constant 0 : i32
    %dma_start3A_404 = tpu.memref_slice %arg5[%dma_start3A_397, %dma_start3A_403] : memref<32x50xi32, #tpu.memory_space<vmem>> -> memref<1x50xi32, #tpu.memory_space<vmem>>
    %dma_start3A_405 = tpu.memref_squeeze %dma_start3A_404 : memref<1x50xi32, #tpu.memory_space<vmem>> -> memref<50xi32, #tpu.memory_space<vmem>>
    %dma_start3A_406 = arith.constant 0 : i32
    %dma_start3A_407 = arith.constant 0 : i32
    %dma_start3A_408 = tpu.memref_slice %arg3[%dma_start3A_406, %dma_start3A_407] : memref<100000x32xf32, #tpu.memory_space<hbm>> -> memref<100000x32xf32, #tpu.memory_space<hbm>>
    tpu.enqueue_indirect_dma source(%dma_start3A_408 : memref<100000x32xf32, #tpu.memory_space<hbm>>) target(%dma_start3A_402 : memref<50x32xf32, #tpu.memory_space<vmem>>) offsets(%dma_start3A_405 : memref<50xi32, #tpu.memory_space<vmem>>) semaphore(%arg8 : memref<!tpu.dma_semaphore, #tpu.memory_space<semaphore_mem>>)
    %dma_start3A_409 = arith.constant 18 : i32
    %dma_start3A_410 = arith.constant 18 : i32
    %dma_start3A_411 = arith.constant 0 : i32
    %dma_start3A_412 = arith.constant 0 : i32
    %dma_start3A_413 = tpu.memref_slice %arg6[%dma_start3A_410, %dma_start3A_411, %dma_start3A_412] : memref<32x50x32xf32, #tpu.memory_space<vmem>> -> memref<1x50x32xf32, #tpu.memory_space<vmem>>
    %dma_start3A_414 = tpu.memref_squeeze %dma_start3A_413 : memref<1x50x32xf32, #tpu.memory_space<vmem>> -> memref<50x32xf32, #tpu.memory_space<vmem>>
    %dma_start3A_415 = arith.constant 0 : i32
    %dma_start3A_416 = tpu.memref_slice %arg5[%dma_start3A_409, %dma_start3A_415] : memref<32x50xi32, #tpu.memory_space<vmem>> -> memref<1x50xi32, #tpu.memory_space<vmem>>
    %dma_start3A_417 = tpu.memref_squeeze %dma_start3A_416 : memref<1x50xi32, #tpu.memory_space<vmem>> -> memref<50xi32, #tpu.memory_space<vmem>>
    %dma_start3A_418 = arith.constant 0 : i32
    %dma_start3A_419 = arith.constant 0 : i32
    %dma_start3A_420 = tpu.memref_slice %arg3[%dma_start3A_418, %dma_start3A_419] : memref<100000x32xf32, #tpu.memory_space<hbm>> -> memref<100000x32xf32, #tpu.memory_space<hbm>>
    tpu.enqueue_indirect_dma source(%dma_start3A_420 : memref<100000x32xf32, #tpu.memory_space<hbm>>) target(%dma_start3A_414 : memref<50x32xf32, #tpu.memory_space<vmem>>) offsets(%dma_start3A_417 : memref<50xi32, #tpu.memory_space<vmem>>) semaphore(%arg8 : memref<!tpu.dma_semaphore, #tpu.memory_space<semaphore_mem>>)
    %dma_start3A_421 = arith.constant 19 : i32
    %dma_start3A_422 = arith.constant 19 : i32
    %dma_start3A_423 = arith.constant 0 : i32
    %dma_start3A_424 = arith.constant 0 : i32
    %dma_start3A_425 = tpu.memref_slice %arg6[%dma_start3A_422, %dma_start3A_423, %dma_start3A_424] : memref<32x50x32xf32, #tpu.memory_space<vmem>> -> memref<1x50x32xf32, #tpu.memory_space<vmem>>
    %dma_start3A_426 = tpu.memref_squeeze %dma_start3A_425 : memref<1x50x32xf32, #tpu.memory_space<vmem>> -> memref<50x32xf32, #tpu.memory_space<vmem>>
    %dma_start3A_427 = arith.constant 0 : i32
    %dma_start3A_428 = tpu.memref_slice %arg5[%dma_start3A_421, %dma_start3A_427] : memref<32x50xi32, #tpu.memory_space<vmem>> -> memref<1x50xi32, #tpu.memory_space<vmem>>
    %dma_start3A_429 = tpu.memref_squeeze %dma_start3A_428 : memref<1x50xi32, #tpu.memory_space<vmem>> -> memref<50xi32, #tpu.memory_space<vmem>>
    %dma_start3A_430 = arith.constant 0 : i32
    %dma_start3A_431 = arith.constant 0 : i32
    %dma_start3A_432 = tpu.memref_slice %arg3[%dma_start3A_430, %dma_start3A_431] : memref<100000x32xf32, #tpu.memory_space<hbm>> -> memref<100000x32xf32, #tpu.memory_space<hbm>>
    tpu.enqueue_indirect_dma source(%dma_start3A_432 : memref<100000x32xf32, #tpu.memory_space<hbm>>) target(%dma_start3A_426 : memref<50x32xf32, #tpu.memory_space<vmem>>) offsets(%dma_start3A_429 : memref<50xi32, #tpu.memory_space<vmem>>) semaphore(%arg8 : memref<!tpu.dma_semaphore, #tpu.memory_space<semaphore_mem>>)
    %dma_start3A_433 = arith.constant 20 : i32
    %dma_start3A_434 = arith.constant 20 : i32
    %dma_start3A_435 = arith.constant 0 : i32
    %dma_start3A_436 = arith.constant 0 : i32
    %dma_start3A_437 = tpu.memref_slice %arg6[%dma_start3A_434, %dma_start3A_435, %dma_start3A_436] : memref<32x50x32xf32, #tpu.memory_space<vmem>> -> memref<1x50x32xf32, #tpu.memory_space<vmem>>
    %dma_start3A_438 = tpu.memref_squeeze %dma_start3A_437 : memref<1x50x32xf32, #tpu.memory_space<vmem>> -> memref<50x32xf32, #tpu.memory_space<vmem>>
    %dma_start3A_439 = arith.constant 0 : i32
    %dma_start3A_440 = tpu.memref_slice %arg5[%dma_start3A_433, %dma_start3A_439] : memref<32x50xi32, #tpu.memory_space<vmem>> -> memref<1x50xi32, #tpu.memory_space<vmem>>
    %dma_start3A_441 = tpu.memref_squeeze %dma_start3A_440 : memref<1x50xi32, #tpu.memory_space<vmem>> -> memref<50xi32, #tpu.memory_space<vmem>>
    %dma_start3A_442 = arith.constant 0 : i32
    %dma_start3A_443 = arith.constant 0 : i32
    %dma_start3A_444 = tpu.memref_slice %arg3[%dma_start3A_442, %dma_start3A_443] : memref<100000x32xf32, #tpu.memory_space<hbm>> -> memref<100000x32xf32, #tpu.memory_space<hbm>>
    tpu.enqueue_indirect_dma source(%dma_start3A_444 : memref<100000x32xf32, #tpu.memory_space<hbm>>) target(%dma_start3A_438 : memref<50x32xf32, #tpu.memory_space<vmem>>) offsets(%dma_start3A_441 : memref<50xi32, #tpu.memory_space<vmem>>) semaphore(%arg8 : memref<!tpu.dma_semaphore, #tpu.memory_space<semaphore_mem>>)
    %dma_start3A_445 = arith.constant 21 : i32
    %dma_start3A_446 = arith.constant 21 : i32
    %dma_start3A_447 = arith.constant 0 : i32
    %dma_start3A_448 = arith.constant 0 : i32
    %dma_start3A_449 = tpu.memref_slice %arg6[%dma_start3A_446, %dma_start3A_447, %dma_start3A_448] : memref<32x50x32xf32, #tpu.memory_space<vmem>> -> memref<1x50x32xf32, #tpu.memory_space<vmem>>
    %dma_start3A_450 = tpu.memref_squeeze %dma_start3A_449 : memref<1x50x32xf32, #tpu.memory_space<vmem>> -> memref<50x32xf32, #tpu.memory_space<vmem>>
    %dma_start3A_451 = arith.constant 0 : i32
    %dma_start3A_452 = tpu.memref_slice %arg5[%dma_start3A_445, %dma_start3A_451] : memref<32x50xi32, #tpu.memory_space<vmem>> -> memref<1x50xi32, #tpu.memory_space<vmem>>
    %dma_start3A_453 = tpu.memref_squeeze %dma_start3A_452 : memref<1x50xi32, #tpu.memory_space<vmem>> -> memref<50xi32, #tpu.memory_space<vmem>>
    %dma_start3A_454 = arith.constant 0 : i32
    %dma_start3A_455 = arith.constant 0 : i32
    %dma_start3A_456 = tpu.memref_slice %arg3[%dma_start3A_454, %dma_start3A_455] : memref<100000x32xf32, #tpu.memory_space<hbm>> -> memref<100000x32xf32, #tpu.memory_space<hbm>>
    tpu.enqueue_indirect_dma source(%dma_start3A_456 : memref<100000x32xf32, #tpu.memory_space<hbm>>) target(%dma_start3A_450 : memref<50x32xf32, #tpu.memory_space<vmem>>) offsets(%dma_start3A_453 : memref<50xi32, #tpu.memory_space<vmem>>) semaphore(%arg8 : memref<!tpu.dma_semaphore, #tpu.memory_space<semaphore_mem>>)
    %dma_start3A_457 = arith.constant 22 : i32
    %dma_start3A_458 = arith.constant 22 : i32
    %dma_start3A_459 = arith.constant 0 : i32
    %dma_start3A_460 = arith.constant 0 : i32
    %dma_start3A_461 = tpu.memref_slice %arg6[%dma_start3A_458, %dma_start3A_459, %dma_start3A_460] : memref<32x50x32xf32, #tpu.memory_space<vmem>> -> memref<1x50x32xf32, #tpu.memory_space<vmem>>
    %dma_start3A_462 = tpu.memref_squeeze %dma_start3A_461 : memref<1x50x32xf32, #tpu.memory_space<vmem>> -> memref<50x32xf32, #tpu.memory_space<vmem>>
    %dma_start3A_463 = arith.constant 0 : i32
    %dma_start3A_464 = tpu.memref_slice %arg5[%dma_start3A_457, %dma_start3A_463] : memref<32x50xi32, #tpu.memory_space<vmem>> -> memref<1x50xi32, #tpu.memory_space<vmem>>
    %dma_start3A_465 = tpu.memref_squeeze %dma_start3A_464 : memref<1x50xi32, #tpu.memory_space<vmem>> -> memref<50xi32, #tpu.memory_space<vmem>>
    %dma_start3A_466 = arith.constant 0 : i32
    %dma_start3A_467 = arith.constant 0 : i32
    %dma_start3A_468 = tpu.memref_slice %arg3[%dma_start3A_466, %dma_start3A_467] : memref<100000x32xf32, #tpu.memory_space<hbm>> -> memref<100000x32xf32, #tpu.memory_space<hbm>>
    tpu.enqueue_indirect_dma source(%dma_start3A_468 : memref<100000x32xf32, #tpu.memory_space<hbm>>) target(%dma_start3A_462 : memref<50x32xf32, #tpu.memory_space<vmem>>) offsets(%dma_start3A_465 : memref<50xi32, #tpu.memory_space<vmem>>) semaphore(%arg8 : memref<!tpu.dma_semaphore, #tpu.memory_space<semaphore_mem>>)
    %dma_start3A_469 = arith.constant 23 : i32
    %dma_start3A_470 = arith.constant 23 : i32
    %dma_start3A_471 = arith.constant 0 : i32
    %dma_start3A_472 = arith.constant 0 : i32
    %dma_start3A_473 = tpu.memref_slice %arg6[%dma_start3A_470, %dma_start3A_471, %dma_start3A_472] : memref<32x50x32xf32, #tpu.memory_space<vmem>> -> memref<1x50x32xf32, #tpu.memory_space<vmem>>
    %dma_start3A_474 = tpu.memref_squeeze %dma_start3A_473 : memref<1x50x32xf32, #tpu.memory_space<vmem>> -> memref<50x32xf32, #tpu.memory_space<vmem>>
    %dma_start3A_475 = arith.constant 0 : i32
    %dma_start3A_476 = tpu.memref_slice %arg5[%dma_start3A_469, %dma_start3A_475] : memref<32x50xi32, #tpu.memory_space<vmem>> -> memref<1x50xi32, #tpu.memory_space<vmem>>
    %dma_start3A_477 = tpu.memref_squeeze %dma_start3A_476 : memref<1x50xi32, #tpu.memory_space<vmem>> -> memref<50xi32, #tpu.memory_space<vmem>>
    %dma_start3A_478 = arith.constant 0 : i32
    %dma_start3A_479 = arith.constant 0 : i32
    %dma_start3A_480 = tpu.memref_slice %arg3[%dma_start3A_478, %dma_start3A_479] : memref<100000x32xf32, #tpu.memory_space<hbm>> -> memref<100000x32xf32, #tpu.memory_space<hbm>>
    tpu.enqueue_indirect_dma source(%dma_start3A_480 : memref<100000x32xf32, #tpu.memory_space<hbm>>) target(%dma_start3A_474 : memref<50x32xf32, #tpu.memory_space<vmem>>) offsets(%dma_start3A_477 : memref<50xi32, #tpu.memory_space<vmem>>) semaphore(%arg8 : memref<!tpu.dma_semaphore, #tpu.memory_space<semaphore_mem>>)
    %dma_start3A_481 = arith.constant 24 : i32
    %dma_start3A_482 = arith.constant 24 : i32
    %dma_start3A_483 = arith.constant 0 : i32
    %dma_start3A_484 = arith.constant 0 : i32
    %dma_start3A_485 = tpu.memref_slice %arg6[%dma_start3A_482, %dma_start3A_483, %dma_start3A_484] : memref<32x50x32xf32, #tpu.memory_space<vmem>> -> memref<1x50x32xf32, #tpu.memory_space<vmem>>
    %dma_start3A_486 = tpu.memref_squeeze %dma_start3A_485 : memref<1x50x32xf32, #tpu.memory_space<vmem>> -> memref<50x32xf32, #tpu.memory_space<vmem>>
    %dma_start3A_487 = arith.constant 0 : i32
    %dma_start3A_488 = tpu.memref_slice %arg5[%dma_start3A_481, %dma_start3A_487] : memref<32x50xi32, #tpu.memory_space<vmem>> -> memref<1x50xi32, #tpu.memory_space<vmem>>
    %dma_start3A_489 = tpu.memref_squeeze %dma_start3A_488 : memref<1x50xi32, #tpu.memory_space<vmem>> -> memref<50xi32, #tpu.memory_space<vmem>>
    %dma_start3A_490 = arith.constant 0 : i32
    %dma_start3A_491 = arith.constant 0 : i32
    %dma_start3A_492 = tpu.memref_slice %arg3[%dma_start3A_490, %dma_start3A_491] : memref<100000x32xf32, #tpu.memory_space<hbm>> -> memref<100000x32xf32, #tpu.memory_space<hbm>>
    tpu.enqueue_indirect_dma source(%dma_start3A_492 : memref<100000x32xf32, #tpu.memory_space<hbm>>) target(%dma_start3A_486 : memref<50x32xf32, #tpu.memory_space<vmem>>) offsets(%dma_start3A_489 : memref<50xi32, #tpu.memory_space<vmem>>) semaphore(%arg8 : memref<!tpu.dma_semaphore, #tpu.memory_space<semaphore_mem>>)
    %dma_start3A_493 = arith.constant 25 : i32
    %dma_start3A_494 = arith.constant 25 : i32
    %dma_start3A_495 = arith.constant 0 : i32
    %dma_start3A_496 = arith.constant 0 : i32
    %dma_start3A_497 = tpu.memref_slice %arg6[%dma_start3A_494, %dma_start3A_495, %dma_start3A_496] : memref<32x50x32xf32, #tpu.memory_space<vmem>> -> memref<1x50x32xf32, #tpu.memory_space<vmem>>
    %dma_start3A_498 = tpu.memref_squeeze %dma_start3A_497 : memref<1x50x32xf32, #tpu.memory_space<vmem>> -> memref<50x32xf32, #tpu.memory_space<vmem>>
    %dma_start3A_499 = arith.constant 0 : i32
    %dma_start3A_500 = tpu.memref_slice %arg5[%dma_start3A_493, %dma_start3A_499] : memref<32x50xi32, #tpu.memory_space<vmem>> -> memref<1x50xi32, #tpu.memory_space<vmem>>
    %dma_start3A_501 = tpu.memref_squeeze %dma_start3A_500 : memref<1x50xi32, #tpu.memory_space<vmem>> -> memref<50xi32, #tpu.memory_space<vmem>>
    %dma_start3A_502 = arith.constant 0 : i32
    %dma_start3A_503 = arith.constant 0 : i32
    %dma_start3A_504 = tpu.memref_slice %arg3[%dma_start3A_502, %dma_start3A_503] : memref<100000x32xf32, #tpu.memory_space<hbm>> -> memref<100000x32xf32, #tpu.memory_space<hbm>>
    tpu.enqueue_indirect_dma source(%dma_start3A_504 : memref<100000x32xf32, #tpu.memory_space<hbm>>) target(%dma_start3A_498 : memref<50x32xf32, #tpu.memory_space<vmem>>) offsets(%dma_start3A_501 : memref<50xi32, #tpu.memory_space<vmem>>) semaphore(%arg8 : memref<!tpu.dma_semaphore, #tpu.memory_space<semaphore_mem>>)
    %dma_start3A_505 = arith.constant 26 : i32
    %dma_start3A_506 = arith.constant 26 : i32
    %dma_start3A_507 = arith.constant 0 : i32
    %dma_start3A_508 = arith.constant 0 : i32
    %dma_start3A_509 = tpu.memref_slice %arg6[%dma_start3A_506, %dma_start3A_507, %dma_start3A_508] : memref<32x50x32xf32, #tpu.memory_space<vmem>> -> memref<1x50x32xf32, #tpu.memory_space<vmem>>
    %dma_start3A_510 = tpu.memref_squeeze %dma_start3A_509 : memref<1x50x32xf32, #tpu.memory_space<vmem>> -> memref<50x32xf32, #tpu.memory_space<vmem>>
    %dma_start3A_511 = arith.constant 0 : i32
    %dma_start3A_512 = tpu.memref_slice %arg5[%dma_start3A_505, %dma_start3A_511] : memref<32x50xi32, #tpu.memory_space<vmem>> -> memref<1x50xi32, #tpu.memory_space<vmem>>
    %dma_start3A_513 = tpu.memref_squeeze %dma_start3A_512 : memref<1x50xi32, #tpu.memory_space<vmem>> -> memref<50xi32, #tpu.memory_space<vmem>>
    %dma_start3A_514 = arith.constant 0 : i32
    %dma_start3A_515 = arith.constant 0 : i32
    %dma_start3A_516 = tpu.memref_slice %arg3[%dma_start3A_514, %dma_start3A_515] : memref<100000x32xf32, #tpu.memory_space<hbm>> -> memref<100000x32xf32, #tpu.memory_space<hbm>>
    tpu.enqueue_indirect_dma source(%dma_start3A_516 : memref<100000x32xf32, #tpu.memory_space<hbm>>) target(%dma_start3A_510 : memref<50x32xf32, #tpu.memory_space<vmem>>) offsets(%dma_start3A_513 : memref<50xi32, #tpu.memory_space<vmem>>) semaphore(%arg8 : memref<!tpu.dma_semaphore, #tpu.memory_space<semaphore_mem>>)
    %dma_start3A_517 = arith.constant 27 : i32
    %dma_start3A_518 = arith.constant 27 : i32
    %dma_start3A_519 = arith.constant 0 : i32
    %dma_start3A_520 = arith.constant 0 : i32
    %dma_start3A_521 = tpu.memref_slice %arg6[%dma_start3A_518, %dma_start3A_519, %dma_start3A_520] : memref<32x50x32xf32, #tpu.memory_space<vmem>> -> memref<1x50x32xf32, #tpu.memory_space<vmem>>
    %dma_start3A_522 = tpu.memref_squeeze %dma_start3A_521 : memref<1x50x32xf32, #tpu.memory_space<vmem>> -> memref<50x32xf32, #tpu.memory_space<vmem>>
    %dma_start3A_523 = arith.constant 0 : i32
    %dma_start3A_524 = tpu.memref_slice %arg5[%dma_start3A_517, %dma_start3A_523] : memref<32x50xi32, #tpu.memory_space<vmem>> -> memref<1x50xi32, #tpu.memory_space<vmem>>
    %dma_start3A_525 = tpu.memref_squeeze %dma_start3A_524 : memref<1x50xi32, #tpu.memory_space<vmem>> -> memref<50xi32, #tpu.memory_space<vmem>>
    %dma_start3A_526 = arith.constant 0 : i32
    %dma_start3A_527 = arith.constant 0 : i32
    %dma_start3A_528 = tpu.memref_slice %arg3[%dma_start3A_526, %dma_start3A_527] : memref<100000x32xf32, #tpu.memory_space<hbm>> -> memref<100000x32xf32, #tpu.memory_space<hbm>>
    tpu.enqueue_indirect_dma source(%dma_start3A_528 : memref<100000x32xf32, #tpu.memory_space<hbm>>) target(%dma_start3A_522 : memref<50x32xf32, #tpu.memory_space<vmem>>) offsets(%dma_start3A_525 : memref<50xi32, #tpu.memory_space<vmem>>) semaphore(%arg8 : memref<!tpu.dma_semaphore, #tpu.memory_space<semaphore_mem>>)
    %dma_start3A_529 = arith.constant 28 : i32
    %dma_start3A_530 = arith.constant 28 : i32
    %dma_start3A_531 = arith.constant 0 : i32
    %dma_start3A_532 = arith.constant 0 : i32
    %dma_start3A_533 = tpu.memref_slice %arg6[%dma_start3A_530, %dma_start3A_531, %dma_start3A_532] : memref<32x50x32xf32, #tpu.memory_space<vmem>> -> memref<1x50x32xf32, #tpu.memory_space<vmem>>
    %dma_start3A_534 = tpu.memref_squeeze %dma_start3A_533 : memref<1x50x32xf32, #tpu.memory_space<vmem>> -> memref<50x32xf32, #tpu.memory_space<vmem>>
    %dma_start3A_535 = arith.constant 0 : i32
    %dma_start3A_536 = tpu.memref_slice %arg5[%dma_start3A_529, %dma_start3A_535] : memref<32x50xi32, #tpu.memory_space<vmem>> -> memref<1x50xi32, #tpu.memory_space<vmem>>
    %dma_start3A_537 = tpu.memref_squeeze %dma_start3A_536 : memref<1x50xi32, #tpu.memory_space<vmem>> -> memref<50xi32, #tpu.memory_space<vmem>>
    %dma_start3A_538 = arith.constant 0 : i32
    %dma_start3A_539 = arith.constant 0 : i32
    %dma_start3A_540 = tpu.memref_slice %arg3[%dma_start3A_538, %dma_start3A_539] : memref<100000x32xf32, #tpu.memory_space<hbm>> -> memref<100000x32xf32, #tpu.memory_space<hbm>>
    tpu.enqueue_indirect_dma source(%dma_start3A_540 : memref<100000x32xf32, #tpu.memory_space<hbm>>) target(%dma_start3A_534 : memref<50x32xf32, #tpu.memory_space<vmem>>) offsets(%dma_start3A_537 : memref<50xi32, #tpu.memory_space<vmem>>) semaphore(%arg8 : memref<!tpu.dma_semaphore, #tpu.memory_space<semaphore_mem>>)
    %dma_start3A_541 = arith.constant 29 : i32
    %dma_start3A_542 = arith.constant 29 : i32
    %dma_start3A_543 = arith.constant 0 : i32
    %dma_start3A_544 = arith.constant 0 : i32
    %dma_start3A_545 = tpu.memref_slice %arg6[%dma_start3A_542, %dma_start3A_543, %dma_start3A_544] : memref<32x50x32xf32, #tpu.memory_space<vmem>> -> memref<1x50x32xf32, #tpu.memory_space<vmem>>
    %dma_start3A_546 = tpu.memref_squeeze %dma_start3A_545 : memref<1x50x32xf32, #tpu.memory_space<vmem>> -> memref<50x32xf32, #tpu.memory_space<vmem>>
    %dma_start3A_547 = arith.constant 0 : i32
    %dma_start3A_548 = tpu.memref_slice %arg5[%dma_start3A_541, %dma_start3A_547] : memref<32x50xi32, #tpu.memory_space<vmem>> -> memref<1x50xi32, #tpu.memory_space<vmem>>
    %dma_start3A_549 = tpu.memref_squeeze %dma_start3A_548 : memref<1x50xi32, #tpu.memory_space<vmem>> -> memref<50xi32, #tpu.memory_space<vmem>>
    %dma_start3A_550 = arith.constant 0 : i32
    %dma_start3A_551 = arith.constant 0 : i32
    %dma_start3A_552 = tpu.memref_slice %arg3[%dma_start3A_550, %dma_start3A_551] : memref<100000x32xf32, #tpu.memory_space<hbm>> -> memref<100000x32xf32, #tpu.memory_space<hbm>>
    tpu.enqueue_indirect_dma source(%dma_start3A_552 : memref<100000x32xf32, #tpu.memory_space<hbm>>) target(%dma_start3A_546 : memref<50x32xf32, #tpu.memory_space<vmem>>) offsets(%dma_start3A_549 : memref<50xi32, #tpu.memory_space<vmem>>) semaphore(%arg8 : memref<!tpu.dma_semaphore, #tpu.memory_space<semaphore_mem>>)
    %dma_start3A_553 = arith.constant 30 : i32
    %dma_start3A_554 = arith.constant 30 : i32
    %dma_start3A_555 = arith.constant 0 : i32
    %dma_start3A_556 = arith.constant 0 : i32
    %dma_start3A_557 = tpu.memref_slice %arg6[%dma_start3A_554, %dma_start3A_555, %dma_start3A_556] : memref<32x50x32xf32, #tpu.memory_space<vmem>> -> memref<1x50x32xf32, #tpu.memory_space<vmem>>
    %dma_start3A_558 = tpu.memref_squeeze %dma_start3A_557 : memref<1x50x32xf32, #tpu.memory_space<vmem>> -> memref<50x32xf32, #tpu.memory_space<vmem>>
    %dma_start3A_559 = arith.constant 0 : i32
    %dma_start3A_560 = tpu.memref_slice %arg5[%dma_start3A_553, %dma_start3A_559] : memref<32x50xi32, #tpu.memory_space<vmem>> -> memref<1x50xi32, #tpu.memory_space<vmem>>
    %dma_start3A_561 = tpu.memref_squeeze %dma_start3A_560 : memref<1x50xi32, #tpu.memory_space<vmem>> -> memref<50xi32, #tpu.memory_space<vmem>>
    %dma_start3A_562 = arith.constant 0 : i32
    %dma_start3A_563 = arith.constant 0 : i32
    %dma_start3A_564 = tpu.memref_slice %arg3[%dma_start3A_562, %dma_start3A_563] : memref<100000x32xf32, #tpu.memory_space<hbm>> -> memref<100000x32xf32, #tpu.memory_space<hbm>>
    tpu.enqueue_indirect_dma source(%dma_start3A_564 : memref<100000x32xf32, #tpu.memory_space<hbm>>) target(%dma_start3A_558 : memref<50x32xf32, #tpu.memory_space<vmem>>) offsets(%dma_start3A_561 : memref<50xi32, #tpu.memory_space<vmem>>) semaphore(%arg8 : memref<!tpu.dma_semaphore, #tpu.memory_space<semaphore_mem>>)
    %dma_start3A_565 = arith.constant 31 : i32
    %dma_start3A_566 = arith.constant 31 : i32
    %dma_start3A_567 = arith.constant 0 : i32
    %dma_start3A_568 = arith.constant 0 : i32
    %dma_start3A_569 = tpu.memref_slice %arg6[%dma_start3A_566, %dma_start3A_567, %dma_start3A_568] : memref<32x50x32xf32, #tpu.memory_space<vmem>> -> memref<1x50x32xf32, #tpu.memory_space<vmem>>
    %dma_start3A_570 = tpu.memref_squeeze %dma_start3A_569 : memref<1x50x32xf32, #tpu.memory_space<vmem>> -> memref<50x32xf32, #tpu.memory_space<vmem>>
    %dma_start3A_571 = arith.constant 0 : i32
    %dma_start3A_572 = tpu.memref_slice %arg5[%dma_start3A_565, %dma_start3A_571] : memref<32x50xi32, #tpu.memory_space<vmem>> -> memref<1x50xi32, #tpu.memory_space<vmem>>
    %dma_start3A_573 = tpu.memref_squeeze %dma_start3A_572 : memref<1x50xi32, #tpu.memory_space<vmem>> -> memref<50xi32, #tpu.memory_space<vmem>>
    %dma_start3A_574 = arith.constant 0 : i32
    %dma_start3A_575 = arith.constant 0 : i32
    %dma_start3A_576 = tpu.memref_slice %arg3[%dma_start3A_574, %dma_start3A_575] : memref<100000x32xf32, #tpu.memory_space<hbm>> -> memref<100000x32xf32, #tpu.memory_space<hbm>>
    tpu.enqueue_indirect_dma source(%dma_start3A_576 : memref<100000x32xf32, #tpu.memory_space<hbm>>) target(%dma_start3A_570 : memref<50x32xf32, #tpu.memory_space<vmem>>) offsets(%dma_start3A_573 : memref<50xi32, #tpu.memory_space<vmem>>) semaphore(%arg8 : memref<!tpu.dma_semaphore, #tpu.memory_space<semaphore_mem>>)
    %dma_wait3A_577 = arith.constant 16 : i32
    %dma_wait3A_578 = arith.constant 16 : i32
    %dma_wait3A_579 = arith.constant 0 : i32
    %dma_wait3A_580 = arith.constant 0 : i32
    %dma_wait3A_581 = tpu.memref_slice %arg6[%dma_wait3A_578, %dma_wait3A_579, %dma_wait3A_580] : memref<32x50x32xf32, #tpu.memory_space<vmem>> -> memref<1x50x32xf32, #tpu.memory_space<vmem>>
    %dma_wait3A_582 = tpu.memref_squeeze %dma_wait3A_581 : memref<1x50x32xf32, #tpu.memory_space<vmem>> -> memref<50x32xf32, #tpu.memory_space<vmem>>
    %dma_wait3A_583 = arith.constant 0 : i32
    %dma_wait3A_584 = tpu.memref_slice %arg5[%dma_wait3A_577, %dma_wait3A_583] : memref<32x50xi32, #tpu.memory_space<vmem>> -> memref<1x50xi32, #tpu.memory_space<vmem>>
    %dma_wait3A_585 = tpu.memref_squeeze %dma_wait3A_584 : memref<1x50xi32, #tpu.memory_space<vmem>> -> memref<50xi32, #tpu.memory_space<vmem>>
    %dma_wait3A_586 = arith.constant 0 : i32
    %dma_wait3A_587 = arith.constant 0 : i32
    %dma_wait3A_588 = tpu.memref_slice %arg3[%dma_wait3A_586, %dma_wait3A_587] : memref<100000x32xf32, #tpu.memory_space<hbm>> -> memref<100000x32xf32, #tpu.memory_space<hbm>>
    tpu.wait_indirect_dma semaphore(%arg8 : memref<!tpu.dma_semaphore, #tpu.memory_space<semaphore_mem>>) src(%dma_wait3A_588 : memref<100000x32xf32, #tpu.memory_space<hbm>>) dst(%dma_wait3A_582 : memref<50x32xf32, #tpu.memory_space<vmem>>)
    %dma_wait3A_589 = arith.constant 17 : i32
    %dma_wait3A_590 = arith.constant 17 : i32
    %dma_wait3A_591 = arith.constant 0 : i32
    %dma_wait3A_592 = arith.constant 0 : i32
    %dma_wait3A_593 = tpu.memref_slice %arg6[%dma_wait3A_590, %dma_wait3A_591, %dma_wait3A_592] : memref<32x50x32xf32, #tpu.memory_space<vmem>> -> memref<1x50x32xf32, #tpu.memory_space<vmem>>
    %dma_wait3A_594 = tpu.memref_squeeze %dma_wait3A_593 : memref<1x50x32xf32, #tpu.memory_space<vmem>> -> memref<50x32xf32, #tpu.memory_space<vmem>>
    %dma_wait3A_595 = arith.constant 0 : i32
    %dma_wait3A_596 = tpu.memref_slice %arg5[%dma_wait3A_589, %dma_wait3A_595] : memref<32x50xi32, #tpu.memory_space<vmem>> -> memref<1x50xi32, #tpu.memory_space<vmem>>
    %dma_wait3A_597 = tpu.memref_squeeze %dma_wait3A_596 : memref<1x50xi32, #tpu.memory_space<vmem>> -> memref<50xi32, #tpu.memory_space<vmem>>
    %dma_wait3A_598 = arith.constant 0 : i32
    %dma_wait3A_599 = arith.constant 0 : i32
    %dma_wait3A_600 = tpu.memref_slice %arg3[%dma_wait3A_598, %dma_wait3A_599] : memref<100000x32xf32, #tpu.memory_space<hbm>> -> memref<100000x32xf32, #tpu.memory_space<hbm>>
    tpu.wait_indirect_dma semaphore(%arg8 : memref<!tpu.dma_semaphore, #tpu.memory_space<semaphore_mem>>) src(%dma_wait3A_600 : memref<100000x32xf32, #tpu.memory_space<hbm>>) dst(%dma_wait3A_594 : memref<50x32xf32, #tpu.memory_space<vmem>>)
    %dma_wait3A_601 = arith.constant 18 : i32
    %dma_wait3A_602 = arith.constant 18 : i32
    %dma_wait3A_603 = arith.constant 0 : i32
    %dma_wait3A_604 = arith.constant 0 : i32
    %dma_wait3A_605 = tpu.memref_slice %arg6[%dma_wait3A_602, %dma_wait3A_603, %dma_wait3A_604] : memref<32x50x32xf32, #tpu.memory_space<vmem>> -> memref<1x50x32xf32, #tpu.memory_space<vmem>>
    %dma_wait3A_606 = tpu.memref_squeeze %dma_wait3A_605 : memref<1x50x32xf32, #tpu.memory_space<vmem>> -> memref<50x32xf32, #tpu.memory_space<vmem>>
    %dma_wait3A_607 = arith.constant 0 : i32
    %dma_wait3A_608 = tpu.memref_slice %arg5[%dma_wait3A_601, %dma_wait3A_607] : memref<32x50xi32, #tpu.memory_space<vmem>> -> memref<1x50xi32, #tpu.memory_space<vmem>>
    %dma_wait3A_609 = tpu.memref_squeeze %dma_wait3A_608 : memref<1x50xi32, #tpu.memory_space<vmem>> -> memref<50xi32, #tpu.memory_space<vmem>>
    %dma_wait3A_610 = arith.constant 0 : i32
    %dma_wait3A_611 = arith.constant 0 : i32
    %dma_wait3A_612 = tpu.memref_slice %arg3[%dma_wait3A_610, %dma_wait3A_611] : memref<100000x32xf32, #tpu.memory_space<hbm>> -> memref<100000x32xf32, #tpu.memory_space<hbm>>
    tpu.wait_indirect_dma semaphore(%arg8 : memref<!tpu.dma_semaphore, #tpu.memory_space<semaphore_mem>>) src(%dma_wait3A_612 : memref<100000x32xf32, #tpu.memory_space<hbm>>) dst(%dma_wait3A_606 : memref<50x32xf32, #tpu.memory_space<vmem>>)
    %dma_wait3A_613 = arith.constant 19 : i32
    %dma_wait3A_614 = arith.constant 19 : i32
    %dma_wait3A_615 = arith.constant 0 : i32
    %dma_wait3A_616 = arith.constant 0 : i32
    %dma_wait3A_617 = tpu.memref_slice %arg6[%dma_wait3A_614, %dma_wait3A_615, %dma_wait3A_616] : memref<32x50x32xf32, #tpu.memory_space<vmem>> -> memref<1x50x32xf32, #tpu.memory_space<vmem>>
    %dma_wait3A_618 = tpu.memref_squeeze %dma_wait3A_617 : memref<1x50x32xf32, #tpu.memory_space<vmem>> -> memref<50x32xf32, #tpu.memory_space<vmem>>
    %dma_wait3A_619 = arith.constant 0 : i32
    %dma_wait3A_620 = tpu.memref_slice %arg5[%dma_wait3A_613, %dma_wait3A_619] : memref<32x50xi32, #tpu.memory_space<vmem>> -> memref<1x50xi32, #tpu.memory_space<vmem>>
    %dma_wait3A_621 = tpu.memref_squeeze %dma_wait3A_620 : memref<1x50xi32, #tpu.memory_space<vmem>> -> memref<50xi32, #tpu.memory_space<vmem>>
    %dma_wait3A_622 = arith.constant 0 : i32
    %dma_wait3A_623 = arith.constant 0 : i32
    %dma_wait3A_624 = tpu.memref_slice %arg3[%dma_wait3A_622, %dma_wait3A_623] : memref<100000x32xf32, #tpu.memory_space<hbm>> -> memref<100000x32xf32, #tpu.memory_space<hbm>>
    tpu.wait_indirect_dma semaphore(%arg8 : memref<!tpu.dma_semaphore, #tpu.memory_space<semaphore_mem>>) src(%dma_wait3A_624 : memref<100000x32xf32, #tpu.memory_space<hbm>>) dst(%dma_wait3A_618 : memref<50x32xf32, #tpu.memory_space<vmem>>)
    %dma_wait3A_625 = arith.constant 20 : i32
    %dma_wait3A_626 = arith.constant 20 : i32
    %dma_wait3A_627 = arith.constant 0 : i32
    %dma_wait3A_628 = arith.constant 0 : i32
    %dma_wait3A_629 = tpu.memref_slice %arg6[%dma_wait3A_626, %dma_wait3A_627, %dma_wait3A_628] : memref<32x50x32xf32, #tpu.memory_space<vmem>> -> memref<1x50x32xf32, #tpu.memory_space<vmem>>
    %dma_wait3A_630 = tpu.memref_squeeze %dma_wait3A_629 : memref<1x50x32xf32, #tpu.memory_space<vmem>> -> memref<50x32xf32, #tpu.memory_space<vmem>>
    %dma_wait3A_631 = arith.constant 0 : i32
    %dma_wait3A_632 = tpu.memref_slice %arg5[%dma_wait3A_625, %dma_wait3A_631] : memref<32x50xi32, #tpu.memory_space<vmem>> -> memref<1x50xi32, #tpu.memory_space<vmem>>
    %dma_wait3A_633 = tpu.memref_squeeze %dma_wait3A_632 : memref<1x50xi32, #tpu.memory_space<vmem>> -> memref<50xi32, #tpu.memory_space<vmem>>
    %dma_wait3A_634 = arith.constant 0 : i32
    %dma_wait3A_635 = arith.constant 0 : i32
    %dma_wait3A_636 = tpu.memref_slice %arg3[%dma_wait3A_634, %dma_wait3A_635] : memref<100000x32xf32, #tpu.memory_space<hbm>> -> memref<100000x32xf32, #tpu.memory_space<hbm>>
    tpu.wait_indirect_dma semaphore(%arg8 : memref<!tpu.dma_semaphore, #tpu.memory_space<semaphore_mem>>) src(%dma_wait3A_636 : memref<100000x32xf32, #tpu.memory_space<hbm>>) dst(%dma_wait3A_630 : memref<50x32xf32, #tpu.memory_space<vmem>>)
    %dma_wait3A_637 = arith.constant 21 : i32
    %dma_wait3A_638 = arith.constant 21 : i32
    %dma_wait3A_639 = arith.constant 0 : i32
    %dma_wait3A_640 = arith.constant 0 : i32
    %dma_wait3A_641 = tpu.memref_slice %arg6[%dma_wait3A_638, %dma_wait3A_639, %dma_wait3A_640] : memref<32x50x32xf32, #tpu.memory_space<vmem>> -> memref<1x50x32xf32, #tpu.memory_space<vmem>>
    %dma_wait3A_642 = tpu.memref_squeeze %dma_wait3A_641 : memref<1x50x32xf32, #tpu.memory_space<vmem>> -> memref<50x32xf32, #tpu.memory_space<vmem>>
    %dma_wait3A_643 = arith.constant 0 : i32
    %dma_wait3A_644 = tpu.memref_slice %arg5[%dma_wait3A_637, %dma_wait3A_643] : memref<32x50xi32, #tpu.memory_space<vmem>> -> memref<1x50xi32, #tpu.memory_space<vmem>>
    %dma_wait3A_645 = tpu.memref_squeeze %dma_wait3A_644 : memref<1x50xi32, #tpu.memory_space<vmem>> -> memref<50xi32, #tpu.memory_space<vmem>>
    %dma_wait3A_646 = arith.constant 0 : i32
    %dma_wait3A_647 = arith.constant 0 : i32
    %dma_wait3A_648 = tpu.memref_slice %arg3[%dma_wait3A_646, %dma_wait3A_647] : memref<100000x32xf32, #tpu.memory_space<hbm>> -> memref<100000x32xf32, #tpu.memory_space<hbm>>
    tpu.wait_indirect_dma semaphore(%arg8 : memref<!tpu.dma_semaphore, #tpu.memory_space<semaphore_mem>>) src(%dma_wait3A_648 : memref<100000x32xf32, #tpu.memory_space<hbm>>) dst(%dma_wait3A_642 : memref<50x32xf32, #tpu.memory_space<vmem>>)
    %dma_wait3A_649 = arith.constant 22 : i32
    %dma_wait3A_650 = arith.constant 22 : i32
    %dma_wait3A_651 = arith.constant 0 : i32
    %dma_wait3A_652 = arith.constant 0 : i32
    %dma_wait3A_653 = tpu.memref_slice %arg6[%dma_wait3A_650, %dma_wait3A_651, %dma_wait3A_652] : memref<32x50x32xf32, #tpu.memory_space<vmem>> -> memref<1x50x32xf32, #tpu.memory_space<vmem>>
    %dma_wait3A_654 = tpu.memref_squeeze %dma_wait3A_653 : memref<1x50x32xf32, #tpu.memory_space<vmem>> -> memref<50x32xf32, #tpu.memory_space<vmem>>
    %dma_wait3A_655 = arith.constant 0 : i32
    %dma_wait3A_656 = tpu.memref_slice %arg5[%dma_wait3A_649, %dma_wait3A_655] : memref<32x50xi32, #tpu.memory_space<vmem>> -> memref<1x50xi32, #tpu.memory_space<vmem>>
    %dma_wait3A_657 = tpu.memref_squeeze %dma_wait3A_656 : memref<1x50xi32, #tpu.memory_space<vmem>> -> memref<50xi32, #tpu.memory_space<vmem>>
    %dma_wait3A_658 = arith.constant 0 : i32
    %dma_wait3A_659 = arith.constant 0 : i32
    %dma_wait3A_660 = tpu.memref_slice %arg3[%dma_wait3A_658, %dma_wait3A_659] : memref<100000x32xf32, #tpu.memory_space<hbm>> -> memref<100000x32xf32, #tpu.memory_space<hbm>>
    tpu.wait_indirect_dma semaphore(%arg8 : memref<!tpu.dma_semaphore, #tpu.memory_space<semaphore_mem>>) src(%dma_wait3A_660 : memref<100000x32xf32, #tpu.memory_space<hbm>>) dst(%dma_wait3A_654 : memref<50x32xf32, #tpu.memory_space<vmem>>)
    %dma_wait3A_661 = arith.constant 23 : i32
    %dma_wait3A_662 = arith.constant 23 : i32
    %dma_wait3A_663 = arith.constant 0 : i32
    %dma_wait3A_664 = arith.constant 0 : i32
    %dma_wait3A_665 = tpu.memref_slice %arg6[%dma_wait3A_662, %dma_wait3A_663, %dma_wait3A_664] : memref<32x50x32xf32, #tpu.memory_space<vmem>> -> memref<1x50x32xf32, #tpu.memory_space<vmem>>
    %dma_wait3A_666 = tpu.memref_squeeze %dma_wait3A_665 : memref<1x50x32xf32, #tpu.memory_space<vmem>> -> memref<50x32xf32, #tpu.memory_space<vmem>>
    %dma_wait3A_667 = arith.constant 0 : i32
    %dma_wait3A_668 = tpu.memref_slice %arg5[%dma_wait3A_661, %dma_wait3A_667] : memref<32x50xi32, #tpu.memory_space<vmem>> -> memref<1x50xi32, #tpu.memory_space<vmem>>
    %dma_wait3A_669 = tpu.memref_squeeze %dma_wait3A_668 : memref<1x50xi32, #tpu.memory_space<vmem>> -> memref<50xi32, #tpu.memory_space<vmem>>
    %dma_wait3A_670 = arith.constant 0 : i32
    %dma_wait3A_671 = arith.constant 0 : i32
    %dma_wait3A_672 = tpu.memref_slice %arg3[%dma_wait3A_670, %dma_wait3A_671] : memref<100000x32xf32, #tpu.memory_space<hbm>> -> memref<100000x32xf32, #tpu.memory_space<hbm>>
    tpu.wait_indirect_dma semaphore(%arg8 : memref<!tpu.dma_semaphore, #tpu.memory_space<semaphore_mem>>) src(%dma_wait3A_672 : memref<100000x32xf32, #tpu.memory_space<hbm>>) dst(%dma_wait3A_666 : memref<50x32xf32, #tpu.memory_space<vmem>>)
    %dma_wait3A_673 = arith.constant 24 : i32
    %dma_wait3A_674 = arith.constant 24 : i32
    %dma_wait3A_675 = arith.constant 0 : i32
    %dma_wait3A_676 = arith.constant 0 : i32
    %dma_wait3A_677 = tpu.memref_slice %arg6[%dma_wait3A_674, %dma_wait3A_675, %dma_wait3A_676] : memref<32x50x32xf32, #tpu.memory_space<vmem>> -> memref<1x50x32xf32, #tpu.memory_space<vmem>>
    %dma_wait3A_678 = tpu.memref_squeeze %dma_wait3A_677 : memref<1x50x32xf32, #tpu.memory_space<vmem>> -> memref<50x32xf32, #tpu.memory_space<vmem>>
    %dma_wait3A_679 = arith.constant 0 : i32
    %dma_wait3A_680 = tpu.memref_slice %arg5[%dma_wait3A_673, %dma_wait3A_679] : memref<32x50xi32, #tpu.memory_space<vmem>> -> memref<1x50xi32, #tpu.memory_space<vmem>>
    %dma_wait3A_681 = tpu.memref_squeeze %dma_wait3A_680 : memref<1x50xi32, #tpu.memory_space<vmem>> -> memref<50xi32, #tpu.memory_space<vmem>>
    %dma_wait3A_682 = arith.constant 0 : i32
    %dma_wait3A_683 = arith.constant 0 : i32
    %dma_wait3A_684 = tpu.memref_slice %arg3[%dma_wait3A_682, %dma_wait3A_683] : memref<100000x32xf32, #tpu.memory_space<hbm>> -> memref<100000x32xf32, #tpu.memory_space<hbm>>
    tpu.wait_indirect_dma semaphore(%arg8 : memref<!tpu.dma_semaphore, #tpu.memory_space<semaphore_mem>>) src(%dma_wait3A_684 : memref<100000x32xf32, #tpu.memory_space<hbm>>) dst(%dma_wait3A_678 : memref<50x32xf32, #tpu.memory_space<vmem>>)
    %dma_wait3A_685 = arith.constant 25 : i32
    %dma_wait3A_686 = arith.constant 25 : i32
    %dma_wait3A_687 = arith.constant 0 : i32
    %dma_wait3A_688 = arith.constant 0 : i32
    %dma_wait3A_689 = tpu.memref_slice %arg6[%dma_wait3A_686, %dma_wait3A_687, %dma_wait3A_688] : memref<32x50x32xf32, #tpu.memory_space<vmem>> -> memref<1x50x32xf32, #tpu.memory_space<vmem>>
    %dma_wait3A_690 = tpu.memref_squeeze %dma_wait3A_689 : memref<1x50x32xf32, #tpu.memory_space<vmem>> -> memref<50x32xf32, #tpu.memory_space<vmem>>
    %dma_wait3A_691 = arith.constant 0 : i32
    %dma_wait3A_692 = tpu.memref_slice %arg5[%dma_wait3A_685, %dma_wait3A_691] : memref<32x50xi32, #tpu.memory_space<vmem>> -> memref<1x50xi32, #tpu.memory_space<vmem>>
    %dma_wait3A_693 = tpu.memref_squeeze %dma_wait3A_692 : memref<1x50xi32, #tpu.memory_space<vmem>> -> memref<50xi32, #tpu.memory_space<vmem>>
    %dma_wait3A_694 = arith.constant 0 : i32
    %dma_wait3A_695 = arith.constant 0 : i32
    %dma_wait3A_696 = tpu.memref_slice %arg3[%dma_wait3A_694, %dma_wait3A_695] : memref<100000x32xf32, #tpu.memory_space<hbm>> -> memref<100000x32xf32, #tpu.memory_space<hbm>>
    tpu.wait_indirect_dma semaphore(%arg8 : memref<!tpu.dma_semaphore, #tpu.memory_space<semaphore_mem>>) src(%dma_wait3A_696 : memref<100000x32xf32, #tpu.memory_space<hbm>>) dst(%dma_wait3A_690 : memref<50x32xf32, #tpu.memory_space<vmem>>)
    %dma_wait3A_697 = arith.constant 26 : i32
    %dma_wait3A_698 = arith.constant 26 : i32
    %dma_wait3A_699 = arith.constant 0 : i32
    %dma_wait3A_700 = arith.constant 0 : i32
    %dma_wait3A_701 = tpu.memref_slice %arg6[%dma_wait3A_698, %dma_wait3A_699, %dma_wait3A_700] : memref<32x50x32xf32, #tpu.memory_space<vmem>> -> memref<1x50x32xf32, #tpu.memory_space<vmem>>
    %dma_wait3A_702 = tpu.memref_squeeze %dma_wait3A_701 : memref<1x50x32xf32, #tpu.memory_space<vmem>> -> memref<50x32xf32, #tpu.memory_space<vmem>>
    %dma_wait3A_703 = arith.constant 0 : i32
    %dma_wait3A_704 = tpu.memref_slice %arg5[%dma_wait3A_697, %dma_wait3A_703] : memref<32x50xi32, #tpu.memory_space<vmem>> -> memref<1x50xi32, #tpu.memory_space<vmem>>
    %dma_wait3A_705 = tpu.memref_squeeze %dma_wait3A_704 : memref<1x50xi32, #tpu.memory_space<vmem>> -> memref<50xi32, #tpu.memory_space<vmem>>
    %dma_wait3A_706 = arith.constant 0 : i32
    %dma_wait3A_707 = arith.constant 0 : i32
    %dma_wait3A_708 = tpu.memref_slice %arg3[%dma_wait3A_706, %dma_wait3A_707] : memref<100000x32xf32, #tpu.memory_space<hbm>> -> memref<100000x32xf32, #tpu.memory_space<hbm>>
    tpu.wait_indirect_dma semaphore(%arg8 : memref<!tpu.dma_semaphore, #tpu.memory_space<semaphore_mem>>) src(%dma_wait3A_708 : memref<100000x32xf32, #tpu.memory_space<hbm>>) dst(%dma_wait3A_702 : memref<50x32xf32, #tpu.memory_space<vmem>>)
    %dma_wait3A_709 = arith.constant 27 : i32
    %dma_wait3A_710 = arith.constant 27 : i32
    %dma_wait3A_711 = arith.constant 0 : i32
    %dma_wait3A_712 = arith.constant 0 : i32
    %dma_wait3A_713 = tpu.memref_slice %arg6[%dma_wait3A_710, %dma_wait3A_711, %dma_wait3A_712] : memref<32x50x32xf32, #tpu.memory_space<vmem>> -> memref<1x50x32xf32, #tpu.memory_space<vmem>>
    %dma_wait3A_714 = tpu.memref_squeeze %dma_wait3A_713 : memref<1x50x32xf32, #tpu.memory_space<vmem>> -> memref<50x32xf32, #tpu.memory_space<vmem>>
    %dma_wait3A_715 = arith.constant 0 : i32
    %dma_wait3A_716 = tpu.memref_slice %arg5[%dma_wait3A_709, %dma_wait3A_715] : memref<32x50xi32, #tpu.memory_space<vmem>> -> memref<1x50xi32, #tpu.memory_space<vmem>>
    %dma_wait3A_717 = tpu.memref_squeeze %dma_wait3A_716 : memref<1x50xi32, #tpu.memory_space<vmem>> -> memref<50xi32, #tpu.memory_space<vmem>>
    %dma_wait3A_718 = arith.constant 0 : i32
    %dma_wait3A_719 = arith.constant 0 : i32
    %dma_wait3A_720 = tpu.memref_slice %arg3[%dma_wait3A_718, %dma_wait3A_719] : memref<100000x32xf32, #tpu.memory_space<hbm>> -> memref<100000x32xf32, #tpu.memory_space<hbm>>
    tpu.wait_indirect_dma semaphore(%arg8 : memref<!tpu.dma_semaphore, #tpu.memory_space<semaphore_mem>>) src(%dma_wait3A_720 : memref<100000x32xf32, #tpu.memory_space<hbm>>) dst(%dma_wait3A_714 : memref<50x32xf32, #tpu.memory_space<vmem>>)
    %dma_wait3A_721 = arith.constant 28 : i32
    %dma_wait3A_722 = arith.constant 28 : i32
    %dma_wait3A_723 = arith.constant 0 : i32
    %dma_wait3A_724 = arith.constant 0 : i32
    %dma_wait3A_725 = tpu.memref_slice %arg6[%dma_wait3A_722, %dma_wait3A_723, %dma_wait3A_724] : memref<32x50x32xf32, #tpu.memory_space<vmem>> -> memref<1x50x32xf32, #tpu.memory_space<vmem>>
    %dma_wait3A_726 = tpu.memref_squeeze %dma_wait3A_725 : memref<1x50x32xf32, #tpu.memory_space<vmem>> -> memref<50x32xf32, #tpu.memory_space<vmem>>
    %dma_wait3A_727 = arith.constant 0 : i32
    %dma_wait3A_728 = tpu.memref_slice %arg5[%dma_wait3A_721, %dma_wait3A_727] : memref<32x50xi32, #tpu.memory_space<vmem>> -> memref<1x50xi32, #tpu.memory_space<vmem>>
    %dma_wait3A_729 = tpu.memref_squeeze %dma_wait3A_728 : memref<1x50xi32, #tpu.memory_space<vmem>> -> memref<50xi32, #tpu.memory_space<vmem>>
    %dma_wait3A_730 = arith.constant 0 : i32
    %dma_wait3A_731 = arith.constant 0 : i32
    %dma_wait3A_732 = tpu.memref_slice %arg3[%dma_wait3A_730, %dma_wait3A_731] : memref<100000x32xf32, #tpu.memory_space<hbm>> -> memref<100000x32xf32, #tpu.memory_space<hbm>>
    tpu.wait_indirect_dma semaphore(%arg8 : memref<!tpu.dma_semaphore, #tpu.memory_space<semaphore_mem>>) src(%dma_wait3A_732 : memref<100000x32xf32, #tpu.memory_space<hbm>>) dst(%dma_wait3A_726 : memref<50x32xf32, #tpu.memory_space<vmem>>)
    %dma_wait3A_733 = arith.constant 29 : i32
    %dma_wait3A_734 = arith.constant 29 : i32
    %dma_wait3A_735 = arith.constant 0 : i32
    %dma_wait3A_736 = arith.constant 0 : i32
    %dma_wait3A_737 = tpu.memref_slice %arg6[%dma_wait3A_734, %dma_wait3A_735, %dma_wait3A_736] : memref<32x50x32xf32, #tpu.memory_space<vmem>> -> memref<1x50x32xf32, #tpu.memory_space<vmem>>
    %dma_wait3A_738 = tpu.memref_squeeze %dma_wait3A_737 : memref<1x50x32xf32, #tpu.memory_space<vmem>> -> memref<50x32xf32, #tpu.memory_space<vmem>>
    %dma_wait3A_739 = arith.constant 0 : i32
    %dma_wait3A_740 = tpu.memref_slice %arg5[%dma_wait3A_733, %dma_wait3A_739] : memref<32x50xi32, #tpu.memory_space<vmem>> -> memref<1x50xi32, #tpu.memory_space<vmem>>
    %dma_wait3A_741 = tpu.memref_squeeze %dma_wait3A_740 : memref<1x50xi32, #tpu.memory_space<vmem>> -> memref<50xi32, #tpu.memory_space<vmem>>
    %dma_wait3A_742 = arith.constant 0 : i32
    %dma_wait3A_743 = arith.constant 0 : i32
    %dma_wait3A_744 = tpu.memref_slice %arg3[%dma_wait3A_742, %dma_wait3A_743] : memref<100000x32xf32, #tpu.memory_space<hbm>> -> memref<100000x32xf32, #tpu.memory_space<hbm>>
    tpu.wait_indirect_dma semaphore(%arg8 : memref<!tpu.dma_semaphore, #tpu.memory_space<semaphore_mem>>) src(%dma_wait3A_744 : memref<100000x32xf32, #tpu.memory_space<hbm>>) dst(%dma_wait3A_738 : memref<50x32xf32, #tpu.memory_space<vmem>>)
    %dma_wait3A_745 = arith.constant 30 : i32
    %dma_wait3A_746 = arith.constant 30 : i32
    %dma_wait3A_747 = arith.constant 0 : i32
    %dma_wait3A_748 = arith.constant 0 : i32
    %dma_wait3A_749 = tpu.memref_slice %arg6[%dma_wait3A_746, %dma_wait3A_747, %dma_wait3A_748] : memref<32x50x32xf32, #tpu.memory_space<vmem>> -> memref<1x50x32xf32, #tpu.memory_space<vmem>>
    %dma_wait3A_750 = tpu.memref_squeeze %dma_wait3A_749 : memref<1x50x32xf32, #tpu.memory_space<vmem>> -> memref<50x32xf32, #tpu.memory_space<vmem>>
    %dma_wait3A_751 = arith.constant 0 : i32
    %dma_wait3A_752 = tpu.memref_slice %arg5[%dma_wait3A_745, %dma_wait3A_751] : memref<32x50xi32, #tpu.memory_space<vmem>> -> memref<1x50xi32, #tpu.memory_space<vmem>>
    %dma_wait3A_753 = tpu.memref_squeeze %dma_wait3A_752 : memref<1x50xi32, #tpu.memory_space<vmem>> -> memref<50xi32, #tpu.memory_space<vmem>>
    %dma_wait3A_754 = arith.constant 0 : i32
    %dma_wait3A_755 = arith.constant 0 : i32
    %dma_wait3A_756 = tpu.memref_slice %arg3[%dma_wait3A_754, %dma_wait3A_755] : memref<100000x32xf32, #tpu.memory_space<hbm>> -> memref<100000x32xf32, #tpu.memory_space<hbm>>
    tpu.wait_indirect_dma semaphore(%arg8 : memref<!tpu.dma_semaphore, #tpu.memory_space<semaphore_mem>>) src(%dma_wait3A_756 : memref<100000x32xf32, #tpu.memory_space<hbm>>) dst(%dma_wait3A_750 : memref<50x32xf32, #tpu.memory_space<vmem>>)
    %dma_wait3A_757 = arith.constant 31 : i32
    %dma_wait3A_758 = arith.constant 31 : i32
    %dma_wait3A_759 = arith.constant 0 : i32
    %dma_wait3A_760 = arith.constant 0 : i32
    %dma_wait3A_761 = tpu.memref_slice %arg6[%dma_wait3A_758, %dma_wait3A_759, %dma_wait3A_760] : memref<32x50x32xf32, #tpu.memory_space<vmem>> -> memref<1x50x32xf32, #tpu.memory_space<vmem>>
    %dma_wait3A_762 = tpu.memref_squeeze %dma_wait3A_761 : memref<1x50x32xf32, #tpu.memory_space<vmem>> -> memref<50x32xf32, #tpu.memory_space<vmem>>
    %dma_wait3A_763 = arith.constant 0 : i32
    %dma_wait3A_764 = tpu.memref_slice %arg5[%dma_wait3A_757, %dma_wait3A_763] : memref<32x50xi32, #tpu.memory_space<vmem>> -> memref<1x50xi32, #tpu.memory_space<vmem>>
    %dma_wait3A_765 = tpu.memref_squeeze %dma_wait3A_764 : memref<1x50xi32, #tpu.memory_space<vmem>> -> memref<50xi32, #tpu.memory_space<vmem>>
    %dma_wait3A_766 = arith.constant 0 : i32
    %dma_wait3A_767 = arith.constant 0 : i32
    %dma_wait3A_768 = tpu.memref_slice %arg3[%dma_wait3A_766, %dma_wait3A_767] : memref<100000x32xf32, #tpu.memory_space<hbm>> -> memref<100000x32xf32, #tpu.memory_space<hbm>>
    tpu.wait_indirect_dma semaphore(%arg8 : memref<!tpu.dma_semaphore, #tpu.memory_space<semaphore_mem>>) src(%dma_wait3A_768 : memref<100000x32xf32, #tpu.memory_space<hbm>>) dst(%dma_wait3A_762 : memref<50x32xf32, #tpu.memory_space<vmem>>)
    %scan3A = arith.constant 0 : i32
    %scan3A_769 = arith.constant 2.000000e-02 : f32
    %scan3A_770 = arith.constant 0 : i32
    %scan3A_771 = arith.constant 32 : i32
    %scan3A_772 = arith.addi %scan3A_770, %scan3A_771 : i32
    %scan3A_773 = arith.constant 1 : i32
    scf.for %scan3A_775 = %scan3A_770 to %scan3A_772 step %scan3A_773  : i32 {
      %broadcast_in_dim3A = arith.constant 0.000000e+00 : f32
      %broadcast_in_dim3A_776 = vector.broadcast %broadcast_in_dim3A : f32 to vector<16xf32>
      %scan3A_777 = arith.constant 0 : i32
      %scan3A_778 = arith.constant 50 : i32
      %scan3A_779 = arith.addi %scan3A_777, %scan3A_778 : i32
      %scan3A_780 = arith.constant 1 : i32
      %scan3A_781:2 = scf.for %scan3A_796 = %scan3A_777 to %scan3A_779 step %scan3A_780 iter_args(%scan3A_797 = %broadcast_in_dim3A_776, %scan3A_798 = %broadcast_in_dim3A_776) -> (vector<16xf32>, vector<16xf32>)  : i32 {
        %get3A = arith.index_cast %scan3A_775 : i32 to index
        %get3A_799 = arith.index_cast %scan3A_796 : i32 to index
        %get3A_800 = arith.constant 0 : index
        %get3A_801 = tpu.vector_load %arg6[%get3A, %get3A_799, %get3A_800] {strides = array<i32>} : memref<32x50x32xf32, #tpu.memory_space<vmem>>, vector<1x1x16xf32>,
        %get3A_802 = vector.shape_cast %get3A_801 : vector<1x1x16xf32> to vector<16xf32>
        %add3A_803 = arith.addf %scan3A_797, %get3A_802 : vector<16xf32>
        %get3A_804 = arith.index_cast %scan3A_775 : i32 to index
        %get3A_805 = arith.index_cast %scan3A_796 : i32 to index
        %get3A_806 = arith.constant 16 : index
        %get3A_807 = tpu.vector_load %arg6[%get3A_804, %get3A_805, %get3A_806] {strides = array<i32>} : memref<32x50x32xf32, #tpu.memory_space<vmem>>, vector<1x1x16xf32>,
        %get3A_808 = vector.shape_cast %get3A_807 : vector<1x1x16xf32> to vector<16xf32>
        %add3A_809 = arith.addf %scan3A_798, %get3A_808 : vector<16xf32>
        scf.yield %add3A_803, %add3A_809 : vector<16xf32>, vector<16xf32>
      }
      %scan3A_782 = arith.constant 50 : i32
      %mul3A_783 = vector.broadcast %scan3A_769 : f32 to vector<16xf32>
      %mul3A_784 = arith.mulf %scan3A_781#0, %mul3A_783 : vector<16xf32>
      %swap3A = arith.index_cast %scan3A_775 : i32 to index
      %swap3A_785 = arith.constant 0 : index
      %swap3A_786 = tpu.vector_load %arg7[%swap3A, %swap3A_785] {strides = array<i32>} : memref<32x32xf32, #tpu.memory_space<vmem>>, vector<1x16xf32>,
      %swap3A_787 = vector.shape_cast %swap3A_786 : vector<1x16xf32> to vector<16xf32>
      %swap3A_788 = vector.shape_cast %mul3A_784 : vector<16xf32> to vector<1x16xf32>
      tpu.vector_store %arg7[%swap3A, %swap3A_785], %swap3A_788 {strides = array<i32>} : memref<32x32xf32, #tpu.memory_space<vmem>>, vector<1x16xf32>,
      %mul3A_789 = vector.broadcast %scan3A_769 : f32 to vector<16xf32>
      %mul3A_790 = arith.mulf %scan3A_781#1, %mul3A_789 : vector<16xf32>
      %swap3A_791 = arith.index_cast %scan3A_775 : i32 to index
      %swap3A_792 = arith.constant 16 : index
      %swap3A_793 = tpu.vector_load %arg7[%swap3A_791, %swap3A_792] {strides = array<i32>} : memref<32x32xf32, #tpu.memory_space<vmem>>, vector<1x16xf32>,
      %swap3A_794 = vector.shape_cast %swap3A_793 : vector<1x16xf32> to vector<16xf32>
      %swap3A_795 = vector.shape_cast %mul3A_790 : vector<16xf32> to vector<1x16xf32>
      tpu.vector_store %arg7[%swap3A_791, %swap3A_792], %swap3A_795 {strides = array<i32>} : memref<32x32xf32, #tpu.memory_space<vmem>>, vector<1x16xf32>,
    }
    %scan3A_774 = arith.constant 32 : i32
    "tpu.region"() ({
      %run_scoped3A = tpu.sem_alloc : memref<!tpu.dma_semaphore, #tpu.memory_space<semaphore_mem>>
      %dma_start3A_775 = arith.constant 0 : i32
      %dma_start3A_776 = tpu.memref_slice %arg4[%mul3A_2, %dma_start3A_775] : memref<1024x32xf32, #tpu.memory_space<hbm>> -> memref<32x32xf32, #tpu.memory_space<hbm>>
      %dma_start3A_777 = arith.constant 0 : i32
      %dma_start3A_778 = tpu.memref_slice %arg4[%mul3A_2, %dma_start3A_777] : memref<1024x32xf32, #tpu.memory_space<hbm>> -> memref<32x32xf32, #tpu.memory_space<hbm>>
      tpu.enqueue_dma source(%arg7 : memref<32x32xf32, #tpu.memory_space<vmem>>) target(%dma_start3A_778 : memref<32x32xf32, #tpu.memory_space<hbm>>) target_semaphore(%run_scoped3A : memref<!tpu.dma_semaphore, #tpu.memory_space<semaphore_mem>>)
      %dma_wait3A_779 = arith.constant 0 : i32
      %dma_wait3A_780 = tpu.memref_slice %arg4[%mul3A_2, %dma_wait3A_779] : memref<1024x32xf32, #tpu.memory_space<hbm>> -> memref<32x32xf32, #tpu.memory_space<hbm>>
      %dma_wait3A_781 = arith.constant 0 : i32
      %dma_wait3A_782 = tpu.memref_slice %arg4[%mul3A_2, %dma_wait3A_781] : memref<1024x32xf32, #tpu.memory_space<hbm>> -> memref<32x32xf32, #tpu.memory_space<hbm>>
      tpu.wait_dma2 semaphore(%run_scoped3A : memref<!tpu.dma_semaphore, #tpu.memory_space<semaphore_mem>>) src(%arg7 : memref<32x32xf32, #tpu.memory_space<vmem>>) dst(%dma_wait3A_782 : memref<32x32xf32, #tpu.memory_space<hbm>>)
      tpu.yield
    }) : () -> ()
    return
  }
}

module attributes {stable_mosaic.version = 14 : i64} {
  func.func @_fused_body(%arg0: i32, %arg1: i32, %arg2: memref<1024x32xf32, #tpu.memory_space<vmem>>, %arg3: memref<32x100352xbf16, #tpu.memory_space<vmem>>, %arg4: memref<1x100352xf32, #tpu.memory_space<vmem>>, %arg5: memref<1024x100000xf32, #tpu.memory_space<any>>, %arg6: memref<128x1xf32, #tpu.memory_space<vmem>>, %arg7: memref<2x128x1xf32, #tpu.memory_space<vmem>>, %arg8: memref<4x128x2048xf32, #tpu.memory_space<vmem>>, %arg9: memref<4x!tpu.dma_semaphore, #tpu.memory_space<semaphore_mem>>, %arg10: memref<128x100352xbf16, #tpu.memory_space<vmem>>) attributes {dimension_semantics = [#tpu.dimension_semantics<arbitrary>, #tpu.dimension_semantics<arbitrary>], iteration_bounds = array<i64: 9, 49>, scalar_prefetch = 0 : i64, scratch_operands = 4 : i64, tpu.core_type = #tpu.core_type<tc>, window_params = [{pipeline_mode = #tpu.pipeline_mode<synchronous>, transform_indices = @transform_0, window_bounds = array<i64: 1024, 32>}, {pipeline_mode = #tpu.pipeline_mode<synchronous>, transform_indices = @transform_1, window_bounds = array<i64: 32, 100352>}, {pipeline_mode = #tpu.pipeline_mode<synchronous>, transform_indices = @transform_2, window_bounds = array<i64: 1, 100352>}, {}, {transform_indices = @transform_4, window_bounds = array<i64: 128, 1>}]} {
    %mul3A = arith.constant 2048 : i32
    %mul3A_0 = arith.muli %arg1, %mul3A : i32
    %multiple_of3A = tpu.assume_multiple %mul3A_0, 1024 : i32
    %gt3A = arith.constant 0 : i32
    %gt3A_1 = arith.cmpi sgt, %arg0, %gt3A : i32
    %lt3A = arith.constant 48 : i32
    %lt3A_2 = arith.cmpi slt, %arg1, %lt3A : i32
    %and3A = arith.andi %gt3A_1, %lt3A_2 : i1
    %convert_element_type3A = arith.extui %and3A : i1 to i32
    %cond3A = arith.constant 0 : i32
    %cond3A_3 = arith.cmpi ne, %convert_element_type3A, %cond3A : i32
    scf.if %cond3A_3 {
      %sub3A = arith.constant 1 : i32
      %sub3A_48 = arith.subi %arg0, %sub3A : i32
      %mul3A_49 = arith.constant 48 : i32
      %mul3A_50 = arith.muli %sub3A_48, %mul3A_49 : i32
      %add3A_51 = arith.addi %mul3A_50, %arg1 : i32
      %rem3A_52 = arith.constant 4 : i32
      %rem3A_53 = arith.remsi %add3A_51, %rem3A_52 : i32
      %ge3A = arith.constant 4 : i32
      %ge3A_54 = arith.cmpi sge, %add3A_51, %ge3A : i32
      %convert_element_type3A_55 = arith.extui %ge3A_54 : i1 to i32
      %cond3A_56 = arith.constant 0 : i32
      %cond3A_57 = arith.cmpi ne, %convert_element_type3A_55, %cond3A_56 : i32
      scf.if %cond3A_57 {
        %dma_wait3A = tpu.memref_slice %arg9[%rem3A_53] : memref<4x!tpu.dma_semaphore, #tpu.memory_space<semaphore_mem>> -> memref<1x!tpu.dma_semaphore, #tpu.memory_space<semaphore_mem>>
        %dma_wait3A_89 = tpu.memref_squeeze %dma_wait3A : memref<1x!tpu.dma_semaphore, #tpu.memory_space<semaphore_mem>> -> memref<!tpu.dma_semaphore, #tpu.memory_space<semaphore_mem>>
        %dma_wait3A_90 = arith.constant 0 : i32
        %dma_wait3A_91 = arith.constant 0 : i32
        %dma_wait3A_92 = tpu.memref_slice %arg5[%dma_wait3A_90, %dma_wait3A_91] : memref<1024x100000xf32, #tpu.memory_space<any>> -> memref<128x2048xf32, #tpu.memory_space<any>>
        %dma_wait3A_93 = arith.constant 0 : i32
        %dma_wait3A_94 = arith.constant 0 : i32
        %dma_wait3A_95 = tpu.memref_slice %arg8[%rem3A_53, %dma_wait3A_93, %dma_wait3A_94] : memref<4x128x2048xf32, #tpu.memory_space<vmem>> -> memref<1x128x2048xf32, #tpu.memory_space<vmem>>
        %dma_wait3A_96 = tpu.memref_squeeze %dma_wait3A_95 : memref<1x128x2048xf32, #tpu.memory_space<vmem>> -> memref<128x2048xf32, #tpu.memory_space<vmem>>
        tpu.wait_dma2 semaphore(%dma_wait3A_89 : memref<!tpu.dma_semaphore, #tpu.memory_space<semaphore_mem>>) src(%dma_wait3A_96 : memref<128x2048xf32, #tpu.memory_space<vmem>>) dst(%dma_wait3A_92 : memref<128x2048xf32, #tpu.memory_space<any>>)
      } else {
      }
      %get3A_58 = arith.constant 0 : index
      %get3A_59 = arith.index_cast %multiple_of3A : i32 to index
      %get3A_60 = vector.load %arg10[%get3A_58, %get3A_59] : memref<128x100352xbf16, #tpu.memory_space<vmem>>, vector<128x2048xbf16>
      %convert_element_type3A_61 = arith.extf %get3A_60 : vector<128x2048xbf16> to vector<128x2048xf32>
      %add3A_62 = arith.constant 1 : i32
      %add3A_63 = arith.addi %arg0, %add3A_62 : i32
      %rem3A_64 = arith.constant 2 : i32
      %rem3A_65 = arith.remsi %add3A_63, %rem3A_64 : i32
      %get3A_66 = arith.index_cast %rem3A_65 : i32 to index
      %get3A_67 = arith.constant 0 : index
      %get3A_68 = arith.constant 0 : index
      %get3A_69 = vector.load %arg7[%get3A_66, %get3A_67, %get3A_68] : memref<2x128x1xf32, #tpu.memory_space<vmem>>, vector<1x128x1xf32>
      %squeeze3A = vector.shape_cast %get3A_69 : vector<1x128x1xf32> to vector<128x1xf32>
      %div3A = arith.constant 1.000000e+00 : f32
      %div3A_70 = vector.broadcast %div3A : f32 to vector<128x1xf32>
      %div3A_71 = arith.divf %div3A_70, %squeeze3A : vector<128x1xf32>
      %mul3A_72 = vector.broadcast %div3A_71 : vector<128x1xf32> to vector<128x2048xf32>
      %mul3A_73 = arith.mulf %convert_element_type3A_61, %mul3A_72 : vector<128x2048xf32>
      %broadcast_in_dim3A_74 = vector.shape_cast %mul3A_73 : vector<128x2048xf32> to vector<1x128x2048xf32>
      %swap3A_75 = arith.index_cast %rem3A_53 : i32 to index
      %swap3A_76 = arith.constant 0 : index
      %swap3A_77 = arith.constant 0 : index
      %swap3A_78 = vector.load %arg8[%swap3A_75, %swap3A_76, %swap3A_77] : memref<4x128x2048xf32, #tpu.memory_space<vmem>>, vector<1x128x2048xf32>
      tpu.vector_store %arg8[%swap3A_75, %swap3A_76, %swap3A_77], %broadcast_in_dim3A_74 {strides = array<i32>} : memref<4x128x2048xf32, #tpu.memory_space<vmem>>, vector<1x128x2048xf32>,
      %sub3A_79 = arith.constant 1 : i32
      %sub3A_80 = arith.subi %arg0, %sub3A_79 : i32
      %mul3A_81 = arith.constant 128 : i32
      %mul3A_82 = arith.muli %sub3A_80, %mul3A_81 : i32
      %dma_start3A = tpu.memref_slice %arg9[%rem3A_53] : memref<4x!tpu.dma_semaphore, #tpu.memory_space<semaphore_mem>> -> memref<1x!tpu.dma_semaphore, #tpu.memory_space<semaphore_mem>>
      %dma_start3A_83 = tpu.memref_squeeze %dma_start3A : memref<1x!tpu.dma_semaphore, #tpu.memory_space<semaphore_mem>> -> memref<!tpu.dma_semaphore, #tpu.memory_space<semaphore_mem>>
      %dma_start3A_84 = tpu.memref_slice %arg5[%mul3A_82, %multiple_of3A] : memref<1024x100000xf32, #tpu.memory_space<any>> -> memref<128x2048xf32, #tpu.memory_space<any>>
      %dma_start3A_85 = arith.constant 0 : i32
      %dma_start3A_86 = arith.constant 0 : i32
      %dma_start3A_87 = tpu.memref_slice %arg8[%rem3A_53, %dma_start3A_85, %dma_start3A_86] : memref<4x128x2048xf32, #tpu.memory_space<vmem>> -> memref<1x128x2048xf32, #tpu.memory_space<vmem>>
      %dma_start3A_88 = tpu.memref_squeeze %dma_start3A_87 : memref<1x128x2048xf32, #tpu.memory_space<vmem>> -> memref<128x2048xf32, #tpu.memory_space<vmem>>
      tpu.enqueue_dma source(%dma_start3A_88 : memref<128x2048xf32, #tpu.memory_space<vmem>>) target(%dma_start3A_84 : memref<128x2048xf32, #tpu.memory_space<any>>) target_semaphore(%dma_start3A_83 : memref<!tpu.dma_semaphore, #tpu.memory_space<semaphore_mem>>)
    } else {
    }
    %min3A = arith.constant 7 : i32
    %min3A_4 = arith.minsi %arg0, %min3A : i32
    %mul3A_5 = arith.constant 128 : i32
    %mul3A_6 = arith.muli %min3A_4, %mul3A_5 : i32
    %get3A = arith.index_cast %mul3A_6 : i32 to index
    %get3A_7 = arith.constant 0 : index
    %get3A_8 = vector.load %arg2[%get3A, %get3A_7] : memref<1024x32xf32, #tpu.memory_space<vmem>>, vector<128x32xf32>
    %convert_element_type3A_9 = arith.truncf %get3A_8 : vector<128x32xf32> to vector<128x32xbf16>
    %get3A_10 = arith.constant 0 : index
    %get3A_11 = arith.index_cast %multiple_of3A : i32 to index
    %get3A_12 = vector.load %arg3[%get3A_10, %get3A_11] : memref<32x100352xbf16, #tpu.memory_space<vmem>>, vector<32x2048xbf16>
    %dot_general3A = arith.constant dense<0.000000e+00> : vector<128x2048xf32>
    %dot_general3A_13 = tpu.matmul %convert_element_type3A_9, %get3A_12, %dot_general3A {dimension_numbers = #tpu.dot_dimension_numbers<[1], [0], [0], [1], [0, 0, 1, 1], [], []>, transpose_lhs_hint = false} : vector<128x32xbf16>, vector<32x2048xbf16>, vector<128x2048xf32> -> vector<128x2048xf32>
    %get3A_14 = arith.constant 0 : index
    %get3A_15 = arith.index_cast %multiple_of3A : i32 to index
    %get3A_16 = vector.load %arg4[%get3A_14, %get3A_15] : memref<1x100352xf32, #tpu.memory_space<vmem>>, vector<1x2048xf32>
    %add3A = vector.broadcast %get3A_16 : vector<1x2048xf32> to vector<128x2048xf32>
    %add3A_17 = arith.addf %dot_general3A_13, %add3A : vector<128x2048xf32>
    %exp3A = math.exp %add3A_17 : vector<128x2048xf32>
    %reduce_sum3A = arith.constant dense<0.000000e+00> : vector<128xf32>
    %reduce_sum3A_18 = vector.multi_reduction <add>, %exp3A, %reduce_sum3A [1] : vector<128x2048xf32> to vector<128xf32>
    %broadcast_in_dim3A = vector.shape_cast %reduce_sum3A_18 : vector<128xf32> to vector<128x1xf32>
    %broadcast_in_dim3A_19 = vector.shape_cast %broadcast_in_dim3A : vector<128x1xf32> to vector<1x128x1xf32>
    %rem3A = arith.constant 2 : i32
    %rem3A_20 = arith.remsi %arg0, %rem3A : i32
    %get3A_21 = arith.index_cast %rem3A_20 : i32 to index
    %get3A_22 = arith.constant 0 : index
    %get3A_23 = arith.constant 0 : index
    %get3A_24 = vector.load %arg7[%get3A_21, %get3A_22, %get3A_23] : memref<2x128x1xf32, #tpu.memory_space<vmem>>, vector<1x128x1xf32>
    %eq3A = arith.constant 0 : i32
    %eq3A_25 = arith.cmpi eq, %arg1, %eq3A : i32
    %jit3A = arith.constant 0.000000e+00 : f32
    %broadcast_in_dim3A_26 = vector.broadcast %jit3A : f32 to vector<1x128x1xf32>
    %select_n3A = arith.select %eq3A_25, %broadcast_in_dim3A_26, %get3A_24 : vector<1x128x1xf32>
    %add3A_27 = arith.addf %select_n3A, %broadcast_in_dim3A_19 : vector<1x128x1xf32>
    %swap3A = arith.index_cast %rem3A_20 : i32 to index
    %swap3A_28 = arith.constant 0 : index
    %swap3A_29 = arith.constant 0 : index
    %swap3A_30 = vector.load %arg7[%swap3A, %swap3A_28, %swap3A_29] : memref<2x128x1xf32, #tpu.memory_space<vmem>>, vector<1x128x1xf32>
    tpu.vector_store %arg7[%swap3A, %swap3A_28, %swap3A_29], %add3A_27 {strides = array<i32>} : memref<2x128x1xf32, #tpu.memory_space<vmem>>, vector<1x128x1xf32>,
    %convert_element_type3A_31 = arith.truncf %exp3A : vector<128x2048xf32> to vector<128x2048xbf16>
    %swap3A_32 = arith.constant 0 : index
    %swap3A_33 = arith.index_cast %multiple_of3A : i32 to index
    %swap3A_34 = vector.load %arg10[%swap3A_32, %swap3A_33] : memref<128x100352xbf16, #tpu.memory_space<vmem>>, vector<128x2048xbf16>
    tpu.vector_store %arg10[%swap3A_32, %swap3A_33], %convert_element_type3A_31 {strides = array<i32>} : memref<128x100352xbf16, #tpu.memory_space<vmem>>, vector<128x2048xbf16>,
    %gt3A_35 = arith.constant 0 : i32
    %gt3A_36 = arith.cmpi sgt, %arg0, %gt3A_35 : i32
    %convert_element_type3A_37 = arith.extui %gt3A_36 : i1 to i32
    %cond3A_38 = arith.constant 0 : i32
    %cond3A_39 = arith.cmpi ne, %convert_element_type3A_37, %cond3A_38 : i32
    scf.if %cond3A_39 {
      %add3A_48 = arith.constant 1 : i32
      %add3A_49 = arith.addi %arg0, %add3A_48 : i32
      %rem3A_50 = arith.constant 2 : i32
      %rem3A_51 = arith.remsi %add3A_49, %rem3A_50 : i32
      %get3A_52 = arith.index_cast %rem3A_51 : i32 to index
      %get3A_53 = arith.constant 0 : index
      %get3A_54 = arith.constant 0 : index
      %get3A_55 = vector.load %arg7[%get3A_52, %get3A_53, %get3A_54] : memref<2x128x1xf32, #tpu.memory_space<vmem>>, vector<1x128x1xf32>
      %squeeze3A = vector.shape_cast %get3A_55 : vector<1x128x1xf32> to vector<128x1xf32>
      %swap3A_56 = arith.constant 0 : index
      %swap3A_57 = arith.constant 0 : index
      %swap3A_58 = vector.load %arg6[%swap3A_56, %swap3A_57] : memref<128x1xf32, #tpu.memory_space<vmem>>, vector<128x1xf32>
      tpu.vector_store %arg6[%swap3A_56, %swap3A_57], %squeeze3A {strides = array<i32>} : memref<128x1xf32, #tpu.memory_space<vmem>>, vector<128x1xf32>,
    } else {
    }
    %eq3A_40 = arith.constant 8 : i32
    %eq3A_41 = arith.cmpi eq, %arg0, %eq3A_40 : i32
    %eq3A_42 = arith.constant 48 : i32
    %eq3A_43 = arith.cmpi eq, %arg1, %eq3A_42 : i32
    %and3A_44 = arith.andi %eq3A_41, %eq3A_43 : i1
    %convert_element_type3A_45 = arith.extui %and3A_44 : i1 to i32
    %cond3A_46 = arith.constant 0 : i32
    %cond3A_47 = arith.cmpi ne, %convert_element_type3A_45, %cond3A_46 : i32
    scf.if %cond3A_47 {
      %dma_wait3A = arith.constant 0 : i32
      %dma_wait3A_48 = arith.constant 0 : i32
      %dma_wait3A_49 = tpu.memref_slice %arg9[%dma_wait3A_48] : memref<4x!tpu.dma_semaphore, #tpu.memory_space<semaphore_mem>> -> memref<1x!tpu.dma_semaphore, #tpu.memory_space<semaphore_mem>>
      %dma_wait3A_50 = tpu.memref_squeeze %dma_wait3A_49 : memref<1x!tpu.dma_semaphore, #tpu.memory_space<semaphore_mem>> -> memref<!tpu.dma_semaphore, #tpu.memory_space<semaphore_mem>>
      %dma_wait3A_51 = arith.constant 0 : i32
      %dma_wait3A_52 = arith.constant 0 : i32
      %dma_wait3A_53 = tpu.memref_slice %arg5[%dma_wait3A_51, %dma_wait3A_52] : memref<1024x100000xf32, #tpu.memory_space<any>> -> memref<128x2048xf32, #tpu.memory_space<any>>
      %dma_wait3A_54 = arith.constant 0 : i32
      %dma_wait3A_55 = arith.constant 0 : i32
      %dma_wait3A_56 = tpu.memref_slice %arg8[%dma_wait3A, %dma_wait3A_54, %dma_wait3A_55] : memref<4x128x2048xf32, #tpu.memory_space<vmem>> -> memref<1x128x2048xf32, #tpu.memory_space<vmem>>
      %dma_wait3A_57 = tpu.memref_squeeze %dma_wait3A_56 : memref<1x128x2048xf32, #tpu.memory_space<vmem>> -> memref<128x2048xf32, #tpu.memory_space<vmem>>
      tpu.wait_dma2 semaphore(%dma_wait3A_50 : memref<!tpu.dma_semaphore, #tpu.memory_space<semaphore_mem>>) src(%dma_wait3A_57 : memref<128x2048xf32, #tpu.memory_space<vmem>>) dst(%dma_wait3A_53 : memref<128x2048xf32, #tpu.memory_space<any>>)
      %dma_wait3A_58 = arith.constant 1 : i32
      %dma_wait3A_59 = arith.constant 1 : i32
      %dma_wait3A_60 = tpu.memref_slice %arg9[%dma_wait3A_59] : memref<4x!tpu.dma_semaphore, #tpu.memory_space<semaphore_mem>> -> memref<1x!tpu.dma_semaphore, #tpu.memory_space<semaphore_mem>>
      %dma_wait3A_61 = tpu.memref_squeeze %dma_wait3A_60 : memref<1x!tpu.dma_semaphore, #tpu.memory_space<semaphore_mem>> -> memref<!tpu.dma_semaphore, #tpu.memory_space<semaphore_mem>>
      %dma_wait3A_62 = arith.constant 0 : i32
      %dma_wait3A_63 = arith.constant 0 : i32
      %dma_wait3A_64 = tpu.memref_slice %arg5[%dma_wait3A_62, %dma_wait3A_63] : memref<1024x100000xf32, #tpu.memory_space<any>> -> memref<128x2048xf32, #tpu.memory_space<any>>
      %dma_wait3A_65 = arith.constant 0 : i32
      %dma_wait3A_66 = arith.constant 0 : i32
      %dma_wait3A_67 = tpu.memref_slice %arg8[%dma_wait3A_58, %dma_wait3A_65, %dma_wait3A_66] : memref<4x128x2048xf32, #tpu.memory_space<vmem>> -> memref<1x128x2048xf32, #tpu.memory_space<vmem>>
      %dma_wait3A_68 = tpu.memref_squeeze %dma_wait3A_67 : memref<1x128x2048xf32, #tpu.memory_space<vmem>> -> memref<128x2048xf32, #tpu.memory_space<vmem>>
      tpu.wait_dma2 semaphore(%dma_wait3A_61 : memref<!tpu.dma_semaphore, #tpu.memory_space<semaphore_mem>>) src(%dma_wait3A_68 : memref<128x2048xf32, #tpu.memory_space<vmem>>) dst(%dma_wait3A_64 : memref<128x2048xf32, #tpu.memory_space<any>>)
      %dma_wait3A_69 = arith.constant 2 : i32
      %dma_wait3A_70 = arith.constant 2 : i32
      %dma_wait3A_71 = tpu.memref_slice %arg9[%dma_wait3A_70] : memref<4x!tpu.dma_semaphore, #tpu.memory_space<semaphore_mem>> -> memref<1x!tpu.dma_semaphore, #tpu.memory_space<semaphore_mem>>
      %dma_wait3A_72 = tpu.memref_squeeze %dma_wait3A_71 : memref<1x!tpu.dma_semaphore, #tpu.memory_space<semaphore_mem>> -> memref<!tpu.dma_semaphore, #tpu.memory_space<semaphore_mem>>
      %dma_wait3A_73 = arith.constant 0 : i32
      %dma_wait3A_74 = arith.constant 0 : i32
      %dma_wait3A_75 = tpu.memref_slice %arg5[%dma_wait3A_73, %dma_wait3A_74] : memref<1024x100000xf32, #tpu.memory_space<any>> -> memref<128x2048xf32, #tpu.memory_space<any>>
      %dma_wait3A_76 = arith.constant 0 : i32
      %dma_wait3A_77 = arith.constant 0 : i32
      %dma_wait3A_78 = tpu.memref_slice %arg8[%dma_wait3A_69, %dma_wait3A_76, %dma_wait3A_77] : memref<4x128x2048xf32, #tpu.memory_space<vmem>> -> memref<1x128x2048xf32, #tpu.memory_space<vmem>>
      %dma_wait3A_79 = tpu.memref_squeeze %dma_wait3A_78 : memref<1x128x2048xf32, #tpu.memory_space<vmem>> -> memref<128x2048xf32, #tpu.memory_space<vmem>>
      tpu.wait_dma2 semaphore(%dma_wait3A_72 : memref<!tpu.dma_semaphore, #tpu.memory_space<semaphore_mem>>) src(%dma_wait3A_79 : memref<128x2048xf32, #tpu.memory_space<vmem>>) dst(%dma_wait3A_75 : memref<128x2048xf32, #tpu.memory_space<any>>)
      %dma_wait3A_80 = arith.constant 3 : i32
      %dma_wait3A_81 = arith.constant 3 : i32
      %dma_wait3A_82 = tpu.memref_slice %arg9[%dma_wait3A_81] : memref<4x!tpu.dma_semaphore, #tpu.memory_space<semaphore_mem>> -> memref<1x!tpu.dma_semaphore, #tpu.memory_space<semaphore_mem>>
      %dma_wait3A_83 = tpu.memref_squeeze %dma_wait3A_82 : memref<1x!tpu.dma_semaphore, #tpu.memory_space<semaphore_mem>> -> memref<!tpu.dma_semaphore, #tpu.memory_space<semaphore_mem>>
      %dma_wait3A_84 = arith.constant 0 : i32
      %dma_wait3A_85 = arith.constant 0 : i32
      %dma_wait3A_86 = tpu.memref_slice %arg5[%dma_wait3A_84, %dma_wait3A_85] : memref<1024x100000xf32, #tpu.memory_space<any>> -> memref<128x2048xf32, #tpu.memory_space<any>>
      %dma_wait3A_87 = arith.constant 0 : i32
      %dma_wait3A_88 = arith.constant 0 : i32
      %dma_wait3A_89 = tpu.memref_slice %arg8[%dma_wait3A_80, %dma_wait3A_87, %dma_wait3A_88] : memref<4x128x2048xf32, #tpu.memory_space<vmem>> -> memref<1x128x2048xf32, #tpu.memory_space<vmem>>
      %dma_wait3A_90 = tpu.memref_squeeze %dma_wait3A_89 : memref<1x128x2048xf32, #tpu.memory_space<vmem>> -> memref<128x2048xf32, #tpu.memory_space<vmem>>
      tpu.wait_dma2 semaphore(%dma_wait3A_83 : memref<!tpu.dma_semaphore, #tpu.memory_space<semaphore_mem>>) src(%dma_wait3A_90 : memref<128x2048xf32, #tpu.memory_space<vmem>>) dst(%dma_wait3A_86 : memref<128x2048xf32, #tpu.memory_space<any>>)
    } else {
    }
    return
  }
  func.func @transform_0(%arg0: i32, %arg1: i32) -> (i32, i32) {
    %c0_i32 = arith.constant 0 : i32
    %c0_i32_0 = arith.constant 0 : i32
    %c0_i32_1 = arith.constant 0 : i32
    return %c0_i32, %c0_i32_0 : i32, i32
  }
  func.func @transform_1(%arg0: i32, %arg1: i32) -> (i32, i32) {
    %c0_i32 = arith.constant 0 : i32
    %c0_i32_0 = arith.constant 0 : i32
    %c0_i32_1 = arith.constant 0 : i32
    return %c0_i32, %c0_i32_0 : i32, i32
  }
  func.func @transform_2(%arg0: i32, %arg1: i32) -> (i32, i32) {
    %c0_i32 = arith.constant 0 : i32
    %c0_i32_0 = arith.constant 0 : i32
    %c0_i32_1 = arith.constant 0 : i32
    return %c0_i32, %c0_i32_0 : i32, i32
  }
  func.func @transform_4(%arg0: i32, %arg1: i32) -> (i32, i32) {
    %sub3A = arith.constant 1 : i32
    %sub3A_0 = arith.subi %arg0, %sub3A : i32
    %max3A = arith.constant 0 : i32
    %max3A_1 = arith.maxsi %sub3A_0, %max3A : i32
    %c0_i32 = arith.constant 0 : i32
    %c0_i32_2 = arith.constant 0 : i32
    return %max3A_1, %c0_i32 : i32, i32
  }
}

module attributes {stable_mosaic.version = 14 : i64} {
  func.func @_tail_body(%arg0: i32, %arg1: memref<1024x100000xf32, #tpu.memory_space<any>>, %arg2: memref<1024x32xf32, #tpu.memory_space<vmem>>, %arg3: memref<32x2048xbf16, #tpu.memory_space<vmem>>, %arg4: memref<1x2048xf32, #tpu.memory_space<vmem>>, %arg5: memref<1024x1xf32, #tpu.memory_space<vmem>>, %arg6: memref<1024x2048xf32, #tpu.memory_space<vmem>>) attributes {dimension_semantics = [#tpu.dimension_semantics<arbitrary>], iteration_bounds = array<i64: 1>, scalar_prefetch = 0 : i64, scratch_operands = 0 : i64, tpu.core_type = #tpu.core_type<tc>, window_params = [{}, {pipeline_mode = #tpu.pipeline_mode<synchronous>, transform_indices = @transform_1, window_bounds = array<i64: 1024, 32>}, {pipeline_mode = #tpu.pipeline_mode<synchronous>, transform_indices = @transform_2, window_bounds = array<i64: 32, 2048>}, {pipeline_mode = #tpu.pipeline_mode<synchronous>, transform_indices = @transform_3, window_bounds = array<i64: 1, 2048>}, {pipeline_mode = #tpu.pipeline_mode<synchronous>, transform_indices = @transform_4, window_bounds = array<i64: 1024, 1>}, {transform_indices = @transform_5, window_bounds = array<i64: 1024, 2048>}]} {
    %get3A = arith.constant 0 : index
    %get3A_0 = arith.constant 0 : index
    %get3A_1 = vector.load %arg2[%get3A, %get3A_0] : memref<1024x32xf32, #tpu.memory_space<vmem>>, vector<1024x32xf32>
    %convert_element_type3A = arith.truncf %get3A_1 : vector<1024x32xf32> to vector<1024x32xbf16>
    %get3A_2 = arith.constant 0 : index
    %get3A_3 = arith.constant 0 : index
    %get3A_4 = vector.load %arg3[%get3A_2, %get3A_3] : memref<32x2048xbf16, #tpu.memory_space<vmem>>, vector<32x2048xbf16>
    %dot_general3A = arith.constant dense<0.000000e+00> : vector<1024x2048xf32>
    %dot_general3A_5 = tpu.matmul %convert_element_type3A, %get3A_4, %dot_general3A {dimension_numbers = #tpu.dot_dimension_numbers<[1], [0], [0], [1], [0, 0, 1, 1], [], []>, transpose_lhs_hint = false} : vector<1024x32xbf16>, vector<32x2048xbf16>, vector<1024x2048xf32> -> vector<1024x2048xf32>
    %get3A_6 = arith.constant 0 : index
    %get3A_7 = arith.constant 0 : index
    %get3A_8 = vector.load %arg4[%get3A_6, %get3A_7] : memref<1x2048xf32, #tpu.memory_space<vmem>>, vector<1x2048xf32>
    %add3A = vector.broadcast %get3A_8 : vector<1x2048xf32> to vector<1024x2048xf32>
    %add3A_9 = arith.addf %dot_general3A_5, %add3A : vector<1024x2048xf32>
    %exp3A = math.exp %add3A_9 : vector<1024x2048xf32>
    %get3A_10 = arith.constant 0 : index
    %get3A_11 = arith.constant 0 : index
    %get3A_12 = vector.load %arg5[%get3A_10, %get3A_11] : memref<1024x1xf32, #tpu.memory_space<vmem>>, vector<1024x1xf32>
    %div3A = arith.constant 1.000000e+00 : f32
    %div3A_13 = vector.broadcast %div3A : f32 to vector<1024x1xf32>
    %div3A_14 = arith.divf %div3A_13, %get3A_12 : vector<1024x1xf32>
    %mul3A = vector.broadcast %div3A_14 : vector<1024x1xf32> to vector<1024x2048xf32>
    %mul3A_15 = arith.mulf %exp3A, %mul3A : vector<1024x2048xf32>
    %swap3A = arith.constant 0 : index
    %swap3A_16 = arith.constant 0 : index
    %swap3A_17 = vector.load %arg6[%swap3A, %swap3A_16] : memref<1024x2048xf32, #tpu.memory_space<vmem>>, vector<1024x2048xf32>
    tpu.vector_store %arg6[%swap3A, %swap3A_16], %mul3A_15 {strides = array<i32>} : memref<1024x2048xf32, #tpu.memory_space<vmem>>, vector<1024x2048xf32>,
    return
  }
  func.func @transform_1(%arg0: i32) -> (i32, i32) {
    %c0_i32 = arith.constant 0 : i32
    %c0_i32_0 = arith.constant 0 : i32
    %c0_i32_1 = arith.constant 0 : i32
    return %c0_i32, %c0_i32_0 : i32, i32
  }
  func.func @transform_2(%arg0: i32) -> (i32, i32) {
    %c0_i32 = arith.constant 0 : i32
    %c0_i32_0 = arith.constant 0 : i32
    %c0_i32_1 = arith.constant 0 : i32
    return %c0_i32, %c0_i32_0 : i32, i32
  }
  func.func @transform_3(%arg0: i32) -> (i32, i32) {
    %c0_i32 = arith.constant 0 : i32
    %c0_i32_0 = arith.constant 0 : i32
    %c0_i32_1 = arith.constant 0 : i32
    return %c0_i32, %c0_i32_0 : i32, i32
  }
  func.func @transform_4(%arg0: i32) -> (i32, i32) {
    %c0_i32 = arith.constant 0 : i32
    %c0_i32_0 = arith.constant 0 : i32
    %c0_i32_1 = arith.constant 0 : i32
    return %c0_i32, %c0_i32_0 : i32, i32
  }
  func.func @transform_5(%arg0: i32) -> (i32, i32) {
    %c0_i32 = arith.constant 0 : i32
    %c48_i32 = arith.constant 48 : i32
    %c0_i32_0 = arith.constant 0 : i32
    return %c0_i32, %c48_i32 : i32, i32
  }
}

</mosaic_0001>

<sc_bundles>
// kernel: kernel.5.cloned.1.call-start
scs
__scs_entry_jumppad:
0x0: {  	(pc) =	sbr.rel $0x88, $3  }
0x1: {  	(tag) =	ssettag $0x0;
	lr =	simm.s32 $0x1  }
0x2: {  	[smem:$0x3F9D] =	sst lr;
	_ =	strace $0xD0000000  }
0x3: {  	_ = 	snop  }
0x4: {  	_ = 	snop  }
0x5: {  	_ = 	snop  }
0x6: {  	_ = 	snop  }
0x7: {  	_ = 	snop  }
__scs_overlays_trampoline_lowered:
0x8: {  	[smem:$0x3FAC] =	sst s0  }
0x9: {  	[smem:$0x3FAD] =	sst s1  }
0xa: {  	[smem:$0x3FAE] =	sst s2  }
0xb: {  	[smem:$0x3FAF] =	sst s3  }
0xc: {  	[smem:$0x3FB0] =	sst s4  }
0xd: {  	[smem:$0x3FB1] =	sst s5  }
0xe: {  	[smem:$0x3FB2] =	sst s6  }
0xf: {  	[smem:$0x3FB3] =	sst s7  }
0x10: {  	[smem:$0x3FB4] =	sst s8  }
0x11: {  	[smem:$0x3FB5] =	sst s9;
	s0 =	simm.s32 @!p0 $0x0  }
0x12: {  	s1 =	sld [smem:$0x3F9B];
	s0 =	simm.s32 @p0 $0x1  }
0x13: {  	[smem:$0x3FB6] =	sst s0;
	s0 =	simm.s32 @!p1 $0x0  }
0x14: {  	s2 =	sld [smem:$0x3F9A];
	s0 =	simm.s32 @p1 $0x1  }
0x15: {  	[smem:$0x3FB7] =	sst s0;
	s0 =	simm.s32 @!p2 $0x0  }
0x16: {  	s3 =	sld [smem:$0x3FDB];
	s0 =	simm.s32 @p2 $0x1  }
0x17: {  	s4 =	simm.s32 $0x1BF5;
	[smem:$0x3FB9] =	sst s0  }
0x18: {  	s0 =	sld [smem:$0x3F9C];
	_ =	swait.ge [sflag:s4], $0x0  }
0x19: {  	s7 =	sld [smem:$0x3F9D]  }
0x1a: {  	s8 =	sadd.s32 $0xFFFFE003, lr  }
0x1b: {  	s9 =	sadd.s32 $0xFFFFFEF7, lr;
	s5 =	simm.s32 $0xFFFFFFFF;
	p2 =	slt.u32 s8, $0xFFFFF086  }
0x1c: {  	p1 =	slt.u32 s9, $0xF7A;
	s5 =	simm.s32 @!p2 $0x0  }
0x1d: {  	s5 =	simm.s32 @p1 $0x1;
	p0 =	seq.s32 s7, s2  }
0x1e: {  	s7 =	smul.u32 @!p0 $0xF7A, s2;
	p2 =	seq.s32 @!p0 s5, $0x0  }
0x1f: {  	s9 =	smul.u32 $0xF7A, s1;
	s8 =	simm.s32 @!p0 $0x1BF5;
	p2 =	por !p2, p0  }
0x20: {  	[sflag:s8] =	ssyncset.s32 @!p0 $0xFFFFF086;
	s6 =	sadd.s32 @!p0 s3, s7;
	s7 =	simm.s32 @!p0 $0x108  }
0x21: {  	s3 =	sadd.s32 s3, s9;
	s6 =	sadd.s32 @!p0 $0x88, s6;
	s7 =	simm.s32 @p2 $0x1082  }
0x22: {  	[simem:s7], [sflag:s8] =	dma.local @!p0 [hbm:s6], $0xF7A  }
0x23: {  	s9 =	sor.u32 $0xD0000000, s2;
	s6 =	simm.s32 $0x108;
	_ =	swait.ge @!p0 [sflag:s8], $0x0  }
0x24: {  	s3 =	sadd.s32 $0x88, s3;
	s6 =	simm.s32 @!p1 $0x1082;
	[sflag:s4] =	ssyncset.s32 $0xFFFFF086  }
0x25: {  	[simem:s6], [sflag:s4] =	dma.local [hbm:s3], $0xF7A  }
0x26: {  	[smem:$0x3F9D] =	sst s1;
	(tag) =	ssettag s2;
	_ =	strace s9  }
0x27: {  	s1 =	sld [smem:$0x3FAD]  }
0x28: {  	s2 =	sld [smem:$0x3FAE]  }
0x29: {  	s4 =	sld [smem:$0x3FB0]  }
0x2a: {  	p0 =	seq.s32 s5, $0x0;
	s5 =	sld [smem:$0x3FB1]  }
0x2b: {  	s6 =	sld [smem:$0x3FB2]  }
0x2c: {  	s7 =	sld [smem:$0x3FB3]  }
0x2d: {  	s3 =	simm.s32 $0x108;
	s8 =	sld [smem:$0x3FB4]  }
0x2e: {  	s3 =	simm.s32 @!p0 $0x1082;
	s9 =	sld [smem:$0x3FB5]  }
0x2f: {  	lr =	sadd.s32 s0, s3;
	s0 =	sld [smem:$0x3FAC]  }
0x30: {  	s3 =	sld [smem:$0x3FAF]  }
0x31: {  	[smem:$0x3FB8] =	sst s10  }
0x32: {  	s10 =	sld [smem:$0x3FB6];
	_ =	sdelay $0x3  }
0x33: {  	p0 =	seq.s32 s10, $0x1;
	s10 =	sld [smem:$0x3FB8];
	_ =	sdelay $0x3  }
0x34: {  	[smem:$0x3FB8] =	sst s10  }
0x35: {  	s10 =	sld [smem:$0x3FB7];
	_ =	sdelay $0x3  }
0x36: {  	p1 =	seq.s32 s10, $0x1;
	s10 =	sld [smem:$0x3FB8];
	_ =	sdelay $0x3  }
0x37: {  	[smem:$0x3FB8] =	sst s10  }
0x38: {  	s10 =	sld [smem:$0x3FB9]  }
0x39: {  	_ = 	snop;
	(pc) =	sbr.ind lr, $3  }
0x3a: {  	_ = 	snop  }
0x3b: {  	_ = 	snop  }
0x3c: {  	p2 =	seq.s32 s10, $0x1;
	s10 =	sld [smem:$0x3FB8]  }
0x3d: {  	_ =	shalt  }
0x3e: {  	_ =	shalt  }
0x3f: {  	_ =	shalt  }
0x40: {  	_ =	shalt  }
0x41: {  	_ =	shalt  }
0x42: {  	_ =	shalt  }
0x43: {  	_ =	shalt  }
0x44: {  	_ =	shalt  }
0x45: {  	_ =	shalt  }
0x46: {  	_ =	shalt  }
0x47: {  	_ =	shalt  }
0x48: {  	_ =	shalt  }
0x49: {  	_ =	shalt  }
0x4a: {  	_ =	shalt  }
0x4b: {  	_ =	shalt  }
0x4c: {  	_ =	shalt  }
0x4d: {  	_ =	shalt  }
0x4e: {  	_ =	shalt  }
0x4f: {  	_ =	shalt  }
0x50: {  	_ =	shalt  }
0x51: {  	_ =	shalt  }
0x52: {  	_ =	shalt  }
0x53: {  	_ =	shalt  }
0x54: {  	_ =	shalt  }
0x55: {  	_ =	shalt  }
0x56: {  	_ =	shalt  }
0x57: {  	_ =	shalt  }
0x58: {  	_ =	shalt  }
0x59: {  	_ =	shalt  }
0x5a: {  	_ =	shalt  }
0x5b: {  	_ =	shalt  }
0x5c: {  	_ =	shalt  }
0x5d: {  	_ =	shalt  }
0x5e: {  	_ =	shalt  }
0x5f: {  	_ =	shalt  }
0x60: {  	_ =	shalt  }
0x61: {  	_ =	shalt  }
0x62: {  	_ =	shalt  }
0x63: {  	_ =	shalt  }
0x64: {  	_ =	shalt  }
0x65: {  	_ =	shalt  }
0x66: {  	_ =	shalt  }
0x67: {  	_ =	shalt  }
0x68: {  	_ =	shalt  }
0x69: {  	_ =	shalt  }
0x6a: {  	_ =	shalt  }
0x6b: {  	_ =	shalt  }
0x6c: {  	_ =	shalt  }
0x6d: {  	_ =	shalt  }
0x6e: {  	_ =	shalt  }
0x6f: {  	_ =	shalt  }
0x70: {  	_ =	shalt  }
0x71: {  	_ =	shalt  }
0x72: {  	_ =	shalt  }
0x73: {  	_ =	shalt  }
0x74: {  	_ =	shalt  }
0x75: {  	_ =	shalt  }
0x76: {  	_ =	shalt  }
0x77: {  	_ =	shalt  }
0x78: {  	_ =	shalt  }
0x79: {  	_ =	shalt  }
0x7a: {  	_ =	shalt  }
0x7b: {  	_ =	shalt  }
0x7c: {  	_ =	shalt  }
0x7d: {  	_ =	shalt  }
0x7e: {  	_ =	shalt  }
0x7f: {  	_ =	shalt  }
0x80: {  	_ =	shalt  }
0x81: {  	_ =	shalt  }
0x82: {  	_ =	shalt  }
0x83: {  	_ =	shalt  }
0x84: {  	_ =	shalt  }
0x85: {  	_ =	shalt  }
0x86: {  	_ =	shalt  }
0x87: {  	_ =	shalt  }
.Lfunc_end0:
.L_simem_size_0:
called_computation_lowered:
.L_overlay_start_0:
0x88: {  	s2 =	sld [smem:$0x3FD9]  }
0x89: {  	s3 =	sld [smem:$0x3FFE];
	_ =	sdelay $0x1  }
0x8a: {  	s1 =	srdreg.scid  }
0x8b: {  	s0 =	sand.u32 $0x1, s1  }
0x8c: {  	s16 =	sshll.u32 s0, $0xA;
	s2 =	sadd.s32 s3, s2  }
0x8d: {  	s2 =	sadd.s32 s2, s16  }
0x8e: {  	[smem:$0x3FC4] =	sst s2  }
0x8f: {  	_ = 	snop  }
0x90: {  	(tm) =	ssettm $0x1  }
0x91: {  	s17 =	sld [smem:$0x3FFB];
	_ =	sdelay $0x3  }
0x92: {  	_ =	strace s17  }
0x93: {  	s2 =	sld [smem:$0x3FFC];
	_ =	sdelay $0x3  }
0x94: {  	_ =	strace s2  }
0x95: {  	s2 =	sld [smem:$0x3FFD];
	_ =	sdelay $0x3  }
0x96: {  	_ =	strace s2  }
0x97: {  	_ =	strace $0x8FFFFFFF  }
0x98: {  	s18 =	sld [smem:$0x3FDB];
	_ =	sdelay $0x1  }
0x99: {  	s19 =	simm.s32 $_scs_section_size  }
0x9a: {  	s4 =	simm.s32 $_size__tile_overlayer_lowered;
	s5 =	simm.s32 $_tile_overlayer_lowered  }
0x9b: {  	s22 =	simm.s32 $0x1BFF;
	s21 =	sshll.u32 s5, $0x1;
	s2 =	sadd.s32 s19, s18  }
0x9c: {  	s6 =	simm.s32 $0x0;
	s20 =	sshll.u32 s4, $0x1;
	s4 =	sadd.s32 s21, s2  }
0x9d: {  	[timem:s6], [sflag:s22] =	dma.local [hbm:s4], s20  }
0x9e: {  	_ =	swait.ge [sflag:s22], s20  }
0x9f: {  	s3 =	ssub.s32 $0x0, s20;
	[sflag:s22] =	ssyncset.done $0x0  }
0xa0: {  	[sflag:s22] =	ssyncadd.s32 s3;
	_ =	sdelay $0x1  }
0xa1: {  	s23 =	simm.s32 $0x1B8B  }
0xa2: {  	_ =	swait.ge [sflag:s23], $0x1  }
0xa3: {  	[sflag:s23] =	ssyncset.done $0x0  }
0xa4: {  	s25 =	simm.s32 $0x1B8E;
	s24 =	sld [smem:$0x3FFE];
	[sflag:s23] =	ssyncadd.s32 $0xFFFFFFFF  }
0xa5: {  	s26 =	simm.s32 $execute0_lowered;
	[smem:$0x3FD2] =	sst s25  }
0xa6: {  	s4 =	sshll.u32 s26, $0x1;
	_ =	strace $0x80000046;
	[dreg:$0x1] =	wrdreg $0xFFFFFFFF  }
0xa7: {  	s28 =	simm.s32 $_size_execute0_lowered;
	s2 =	sadd.s32 s2, s4;
	[dreg:$0x0] =	wrdreg $0x0  }
0xa8: {  	s4 =	sshll.u32 s28, $0x1;
	[dreg:$0x2] =	wrdreg s2  }
0xa9: {  	[dreg:$0x3] =	wrdreg s4  }
0xaa: {  	[dreg:$0x4] =	wrdreg $0xC0  }
0xab: {  	_ =	task [dreg:s6], $0x5FFFF  }
0xac: {  	[dreg:$0x1] =	wrdreg $0xFFFFFFFF  }
0xad: {  	[dreg:$0x0] =	wrdreg $0x60  }
0xae: {  	[dreg:$0x2] =	wrdreg s24  }
0xaf: {  	[dreg:$0x3] =	wrdreg $0x9  }
0xb0: {  	_ =	task.clear_ibuf [dreg:s6], $0x4FFFF;
	_ =	strace $0x90000046  }
0xb1: {  	s29 =	simm.s32 $0x9;
	_ =	strace $0x80000048  }
0xb2: {  	_ =	swait.ge [sflag:s29], $0x1  }
0xb3: {  	[sflag:s29] =	ssyncadd.s32 $0xFFFFFFFF  }
0xb4: {  	_ =	strace $0x90000048  }
0xb5: {  	_ =	sfence  }
0xb6: {  	s30 =	sld [smem:$0x0];
	_ =	sdelay $0x2  }
0xb7: {  	s31 =	sshll.u32 s1, $0xD;
	s1 =	sshrl.u32 s1, $0x2  }
0xb8: {  	s3 =	sand.u32 $0x4000, s31;
	s1 =	sadd.s32 s1, s30  }
0xb9: {  	s0 =	sor.u32 s3, s0;
	s1 =	sshll.u32 s1, $0x11  }
0xba: {  	s0 =	sor.u32 s1, s0  }
0xbb: {  	s0 =	sadd.s32 $0x8F2B, s0  }
0xbc: {  	[sflag:s0] =	ssyncadd.remote.s32 $0x1  }
0xbd: {  	_ =	sfence.sel $0xFFFF  }
0xbe: {  	[dreg:$0x0] =	wrdreg $0xFFFFFFFF;
	(pc) =	sbr.abs _section_cstart, $3  }
0xbf: {  	[dreg:$0x1] =	wrdreg $0xFFFFFFFF  }
0xc0: {  	_ =	task.clear_ibuf [dreg:s6], $0x2FFFF;
	_ =	strace $0x9FFFFFFF  }
0xc1: {  	(tm) =	ssettm $0x7FFFFFFF  }
tec
execute0_lowered:
.L_overlay_start_1:
0x0: {  	(tag) =	ssettag $0x1  }
0x1: {  	s0 =	srdreg.scid  }
0x2: {  	s1 =	stileid.u32;
	s4 =	rddreg [dreg:$0x0];
	s7 =	simm.s32 $0x2  }
0x3: {  	s8 =	simm.s32 $0x32;
	s15 =	simm.s32 $0x1;
	s9 =	simm.s32 $0x9D00  }
0x4: {  	s10 =	simm.s32 $0x578;
	s11 =	simm.s32 $0xA340;
	s12 =	simm.s32 $0x5B0  }
0x5: {  	s13 =	simm.s32 $0xA980;
	s14 =	simm.s32 $0x5E8;
	s16 =	simm.s32 $0xAFC0  }
0x6: {  	s17 =	simm.s32 $0x620;
	s18 =	simm.s32 $0xB600;
	s19 =	simm.s32 $0x658  }
0x7: {  	s20 =	simm.s32 $0xBC40;
	s21 =	simm.s32 $0x690;
	s22 =	simm.s32 $0xC280  }
0x8: {  	s23 =	simm.s32 $0x6C8;
	s24 =	simm.s32 $0xC8C0;
	s0 =	sand.u32 $0x1, s0  }
0x9: {  	s25 =	simm.s32 $0xCF00;
	s1 =	sshll.u32 s1, $0x6;
	s2 =	sshll.u32 s0, $0x5  }
0xa: {  	s26 =	simm.s32 $0x0;
	s0 =	ssub.s32 $0x2, s0;
	s1 =	sor.u32 s2, s1  }
0xb: {  	s2 =	simm.s32 $0x0;
	s6 =	sshrl.u32 s0, $0x1;
	s3 =	smul.u32 $0x7, s1  }
0xc: {  	[smem:$0x7FF] =	sst s2;
	s1 =	sshll.u32 s1, $0x2;
	s0 =	ssub.s32 s0, s6  }
0xd: {  	_ =	strace $0x80000047;
	s1 =	sadd.s32 s1, s4;
	s6 =	smax.u32 s0, $0x1  }
0xe: {  	s0 =	simm.s32 $0x540;
	s5 =	sadd.s32 s3, s4;
	s3 =	sadd.s32 $0x3600, s4  }
0xf: {  	s4 =	sadd.s32 $0x1A00, s5;
	s5 =	sadd.s32 $0x65200, s1;
	s1 =	simm.s32 $0x96C0  }
.LBB2_1:
0x10: {  	[tilespmem:s2], [sflag:$0x2] =	stream.linear.gather [hbm4b:s4+s2], $0x700, $0x38;
	[tilespmem:$0xD300] =	vst v63  }
0x11: {  	_ =	swait.ge [sflag:s7], $0x700  }
0x12: {  	[sflag:s7] =	ssyncset.done $0x0  }
0x13: {  	s28 =	simm.s32 $0x700;
	[sflag:s7] =	ssyncadd.s32 $0xFFFFF900  }
0x14: {  	[tilespmem:s28], [sflag:$0x1] =	stream.indirect.gather [hbm4b:s3+s8], $0x20, s2, s8, $0xb8;
	[tilespmem:$0xD300] =	vst v63  }
0x15: {  	s29 =	simm.s32 $0x38;
	s30 =	simm.s32 $0xD40  }
0x16: {  	[tilespmem:s30], [sflag:$0x1] =	stream.indirect.gather [hbm4b:s3+s8], $0x20, s29, s8, $0xb8;
	[tilespmem:$0xD300] =	vst v63  }
0x17: {  	s31 =	simm.s32 $0x1380;
	s29 =	simm.s32 $0x70  }
0x18: {  	[tilespmem:s31], [sflag:$0x1] =	stream.indirect.gather [hbm4b:s3+s8], $0x20, s29, s8, $0xb8;
	[tilespmem:$0xD300] =	vst v63  }
0x19: {  	s29 =	simm.s32 $0xA8;
	s31 =	simm.s32 $0x19C0  }
0x1a: {  	[tilespmem:s31], [sflag:$0x1] =	stream.indirect.gather [hbm4b:s3+s8], $0x20, s29, s8, $0xb8;
	[tilespmem:$0xD300] =	vst v63  }
0x1b: {  	s29 =	simm.s32 $0xE0;
	s31 =	simm.s32 $0x2000  }
0x1c: {  	[tilespmem:s31], [sflag:$0x1] =	stream.indirect.gather [hbm4b:s3+s8], $0x20, s29, s8, $0xb8;
	[tilespmem:$0xD300] =	vst v63  }
0x1d: {  	s29 =	simm.s32 $0x118;
	s31 =	simm.s32 $0x2640  }
0x1e: {  	[tilespmem:s31], [sflag:$0x1] =	stream.indirect.gather [hbm4b:s3+s8], $0x20, s29, s8, $0xb8;
	[tilespmem:$0xD300] =	vst v63  }
0x1f: {  	s29 =	simm.s32 $0x150;
	s31 =	simm.s32 $0x2C80  }
0x20: {  	[tilespmem:s31], [sflag:$0x1] =	stream.indirect.gather [hbm4b:s3+s8], $0x20, s29, s8, $0xb8;
	[tilespmem:$0xD300] =	vst v63  }
0x21: {  	s29 =	simm.s32 $0x188;
	s31 =	simm.s32 $0x32C0  }
0x22: {  	[tilespmem:s31], [sflag:$0x1] =	stream.indirect.gather [hbm4b:s3+s8], $0x20, s29, s8, $0xb8;
	[tilespmem:$0xD300] =	vst v63  }
0x23: {  	s29 =	simm.s32 $0x1C0;
	s31 =	simm.s32 $0x3900  }
0x24: {  	[tilespmem:s31], [sflag:$0x1] =	stream.indirect.gather [hbm4b:s3+s8], $0x20, s29, s8, $0xb8;
	[tilespmem:$0xD300] =	vst v63  }
0x25: {  	s29 =	simm.s32 $0x1F8;
	s31 =	simm.s32 $0x3F40  }
0x26: {  	[tilespmem:s31], [sflag:$0x1] =	stream.indirect.gather [hbm4b:s3+s8], $0x20, s29, s8, $0xb8;
	[tilespmem:$0xD300] =	vst v63  }
0x27: {  	s29 =	simm.s32 $0x230;
	s31 =	simm.s32 $0x4580  }
0x28: {  	[tilespmem:s31], [sflag:$0x1] =	stream.indirect.gather [hbm4b:s3+s8], $0x20, s29, s8, $0xb8;
	[tilespmem:$0xD300] =	vst v63  }
0x29: {  	s29 =	simm.s32 $0x268;
	s31 =	simm.s32 $0x4BC0  }
0x2a: {  	[tilespmem:s31], [sflag:$0x1] =	stream.indirect.gather [hbm4b:s3+s8], $0x20, s29, s8, $0xb8;
	[tilespmem:$0xD300] =	vst v63  }
0x2b: {  	s29 =	simm.s32 $0x2A0;
	s31 =	simm.s32 $0x5200  }
0x2c: {  	[tilespmem:s31], [sflag:$0x1] =	stream.indirect.gather [hbm4b:s3+s8], $0x20, s29, s8, $0xb8;
	[tilespmem:$0xD300] =	vst v63  }
0x2d: {  	s29 =	simm.s32 $0x2D8;
	s31 =	simm.s32 $0x5840  }
0x2e: {  	[tilespmem:s31], [sflag:$0x1] =	stream.indirect.gather [hbm4b:s3+s8], $0x20, s29, s8, $0xb8;
	[tilespmem:$0xD300] =	vst v63  }
0x2f: {  	s29 =	simm.s32 $0x310;
	s31 =	simm.s32 $0x5E80  }
0x30: {  	[tilespmem:s31], [sflag:$0x1] =	stream.indirect.gather [hbm4b:s3+s8], $0x20, s29, s8, $0xb8;
	[tilespmem:$0xD300] =	vst v63  }
0x31: {  	s29 =	simm.s32 $0x348;
	s31 =	simm.s32 $0x64C0  }
0x32: {  	[tilespmem:s31], [sflag:$0x1] =	stream.indirect.gather [hbm4b:s3+s8], $0x20, s29, s8, $0xb8;
	[tilespmem:$0xD300] =	vst v63  }
0x33: {  	_ =	swait.ge [sflag:s15], $0x640  }
0x34: {  	[sflag:s15] =	ssyncset.done $0x0  }
0x35: {  	[sflag:s15] =	ssyncadd.s32 $0xFFFFF9C0  }
0x36: {  	_ =	swait.ge [sflag:s15], $0x640  }
0x37: {  	[sflag:s15] =	ssyncset.done $0x0  }
0x38: {  	[sflag:s15] =	ssyncadd.s32 $0xFFFFF9C0  }
0x39: {  	_ =	swait.ge [sflag:s15], $0x640  }
0x3a: {  	[sflag:s15] =	ssyncset.done $0x0  }
0x3b: {  	[sflag:s15] =	ssyncadd.s32 $0xFFFFF9C0  }
0x3c: {  	_ =	swait.ge [sflag:s15], $0x640  }
0x3d: {  	[sflag:s15] =	ssyncset.done $0x0  }
0x3e: {  	[sflag:s15] =	ssyncadd.s32 $0xFFFFF9C0  }
0x3f: {  	_ =	swait.ge [sflag:s15], $0x640  }
0x40: {  	[sflag:s15] =	ssyncset.done $0x0  }
0x41: {  	[sflag:s15] =	ssyncadd.s32 $0xFFFFF9C0  }
0x42: {  	_ =	swait.ge [sflag:s15], $0x640  }
0x43: {  	[sflag:s15] =	ssyncset.done $0x0  }
0x44: {  	[sflag:s15] =	ssyncadd.s32 $0xFFFFF9C0  }
0x45: {  	_ =	swait.ge [sflag:s15], $0x640  }
0x46: {  	[sflag:s15] =	ssyncset.done $0x0  }
0x47: {  	[sflag:s15] =	ssyncadd.s32 $0xFFFFF9C0  }
0x48: {  	_ =	swait.ge [sflag:s15], $0x640  }
0x49: {  	[sflag:s15] =	ssyncset.done $0x0  }
0x4a: {  	[sflag:s15] =	ssyncadd.s32 $0xFFFFF9C0  }
0x4b: {  	_ =	swait.ge [sflag:s15], $0x640  }
0x4c: {  	[sflag:s15] =	ssyncset.done $0x0  }
0x4d: {  	[sflag:s15] =	ssyncadd.s32 $0xFFFFF9C0  }
0x4e: {  	_ =	swait.ge [sflag:s15], $0x640  }
0x4f: {  	[sflag:s15] =	ssyncset.done $0x0  }
0x50: {  	[sflag:s15] =	ssyncadd.s32 $0xFFFFF9C0  }
0x51: {  	_ =	swait.ge [sflag:s15], $0x640  }
0x52: {  	[sflag:s15] =	ssyncset.done $0x0  }
0x53: {  	[sflag:s15] =	ssyncadd.s32 $0xFFFFF9C0  }
0x54: {  	_ =	swait.ge [sflag:s15], $0x640  }
0x55: {  	[sflag:s15] =	ssyncset.done $0x0  }
0x56: {  	[sflag:s15] =	ssyncadd.s32 $0xFFFFF9C0  }
0x57: {  	_ =	swait.ge [sflag:s15], $0x640  }
0x58: {  	[sflag:s15] =	ssyncset.done $0x0  }
0x59: {  	[sflag:s15] =	ssyncadd.s32 $0xFFFFF9C0  }
0x5a: {  	_ =	swait.ge [sflag:s15], $0x640  }
0x5b: {  	[sflag:s15] =	ssyncset.done $0x0  }
0x5c: {  	[sflag:s15] =	ssyncadd.s32 $0xFFFFF9C0  }
0x5d: {  	_ =	swait.ge [sflag:s15], $0x640  }
0x5e: {  	[sflag:s15] =	ssyncset.done $0x0  }
0x5f: {  	[sflag:s15] =	ssyncadd.s32 $0xFFFFF9C0  }
0x60: {  	_ =	swait.ge [sflag:s15], $0x640  }
0x61: {  	[sflag:s15] =	ssyncset.done $0x0  }
0x62: {  	s29 =	simm.s32 $0x380;
	s31 =	simm.s32 $0x6B00;
	[sflag:s15] =	ssyncadd.s32 $0xFFFFF9C0  }
0x63: {  	[tilespmem:s31], [sflag:$0x1] =	stream.indirect.gather [hbm4b:s3+s8], $0x20, s29, s8, $0xb8;
	[tilespmem:$0xD300] =	vst v63  }
0x64: {  	s29 =	simm.s32 $0x3B8;
	s31 =	simm.s32 $0x7140  }
0x65: {  	[tilespmem:s31], [sflag:$0x1] =	stream.indirect.gather [hbm4b:s3+s8], $0x20, s29, s8, $0xb8;
	[tilespmem:$0xD300] =	vst v63  }
0x66: {  	s29 =	simm.s32 $0x3F0;
	s31 =	simm.s32 $0x7780  }
0x67: {  	[tilespmem:s31], [sflag:$0x1] =	stream.indirect.gather [hbm4b:s3+s8], $0x20, s29, s8, $0xb8;
	[tilespmem:$0xD300] =	vst v63  }
0x68: {  	s29 =	simm.s32 $0x428;
	s31 =	simm.s32 $0x7DC0  }
0x69: {  	[tilespmem:s31], [sflag:$0x1] =	stream.indirect.gather [hbm4b:s3+s8], $0x20, s29, s8, $0xb8;
	[tilespmem:$0xD300] =	vst v63  }
0x6a: {  	s29 =	simm.s32 $0x460;
	s31 =	simm.s32 $0x8400  }
0x6b: {  	[tilespmem:s31], [sflag:$0x1] =	stream.indirect.gather [hbm4b:s3+s8], $0x20, s29, s8, $0xb8;
	[tilespmem:$0xD300] =	vst v63  }
0x6c: {  	s29 =	simm.s32 $0x498;
	s31 =	simm.s32 $0x8A40  }
0x6d: {  	[tilespmem:s31], [sflag:$0x1] =	stream.indirect.gather [hbm4b:s3+s8], $0x20, s29, s8, $0xb8;
	[tilespmem:$0xD300] =	vst v63  }
0x6e: {  	s29 =	simm.s32 $0x4D0;
	s31 =	simm.s32 $0x9080  }
0x6f: {  	[tilespmem:s31], [sflag:$0x1] =	stream.indirect.gather [hbm4b:s3+s8], $0x20, s29, s8, $0xb8;
	[tilespmem:$0xD300] =	vst v63  }
0x70: {  	s29 =	simm.s32 $0x508  }
0x71: {  	[tilespmem:s1], [sflag:$0x1] =	stream.indirect.gather [hbm4b:s3+s8], $0x20, s29, s8, $0xb8;
	[tilespmem:$0xD300] =	vst v63  }
0x72: {  	_ = 	snop  }
0x73: {  	[tilespmem:s9], [sflag:$0x1] =	stream.indirect.gather [hbm4b:s3+s8], $0x20, s0, s8, $0xb8;
	[tilespmem:$0xD300] =	vst v63  }
0x74: {  	_ = 	snop  }
0x75: {  	[tilespmem:s11], [sflag:$0x1] =	stream.indirect.gather [hbm4b:s3+s8], $0x20, s10, s8, $0xb8;
	[tilespmem:$0xD300] =	vst v63  }
0x76: {  	_ = 	snop  }
0x77: {  	[tilespmem:s13], [sflag:$0x1] =	stream.indirect.gather [hbm4b:s3+s8], $0x20, s12, s8, $0xb8;
	[tilespmem:$0xD300] =	vst v63  }
0x78: {  	_ = 	snop  }
0x79: {  	[tilespmem:s16], [sflag:$0x1] =	stream.indirect.gather [hbm4b:s3+s8], $0x20, s14, s8, $0xb8;
	[tilespmem:$0xD300] =	vst v63  }
0x7a: {  	_ = 	snop  }
0x7b: {  	[tilespmem:s18], [sflag:$0x1] =	stream.indirect.gather [hbm4b:s3+s8], $0x20, s17, s8, $0xb8;
	[tilespmem:$0xD300] =	vst v63  }
0x7c: {  	_ = 	snop  }
0x7d: {  	[tilespmem:s20], [sflag:$0x1] =	stream.indirect.gather [hbm4b:s3+s8], $0x20, s19, s8, $0xb8;
	[tilespmem:$0xD300] =	vst v63  }
0x7e: {  	_ = 	snop  }
0x7f: {  	[tilespmem:s22], [sflag:$0x1] =	stream.indirect.gather [hbm4b:s3+s8], $0x20, s21, s8, $0xb8;
	[tilespmem:$0xD300] =	vst v63  }
0x80: {  	_ = 	snop  }
0x81: {  	[tilespmem:s24], [sflag:$0x1] =	stream.indirect.gather [hbm4b:s3+s8], $0x20, s23, s8, $0xb8;
	[tilespmem:$0xD300] =	vst v63  }
0x82: {  	_ =	swait.ge [sflag:s15], $0x640  }
0x83: {  	[sflag:s15] =	ssyncset.done $0x0  }
0x84: {  	[sflag:s15] =	ssyncadd.s32 $0xFFFFF9C0  }
0x85: {  	_ =	swait.ge [sflag:s15], $0x640  }
0x86: {  	[sflag:s15] =	ssyncset.done $0x0  }
0x87: {  	[sflag:s15] =	ssyncadd.s32 $0xFFFFF9C0  }
0x88: {  	_ =	swait.ge [sflag:s15], $0x640  }
0x89: {  	[sflag:s15] =	ssyncset.done $0x0  }
0x8a: {  	[sflag:s15] =	ssyncadd.s32 $0xFFFFF9C0  }
0x8b: {  	_ =	swait.ge [sflag:s15], $0x640  }
0x8c: {  	[sflag:s15] =	ssyncset.done $0x0  }
0x8d: {  	[sflag:s15] =	ssyncadd.s32 $0xFFFFF9C0  }
0x8e: {  	_ =	swait.ge [sflag:s15], $0x640  }
0x8f: {  	[sflag:s15] =	ssyncset.done $0x0  }
0x90: {  	[sflag:s15] =	ssyncadd.s32 $0xFFFFF9C0  }
0x91: {  	_ =	swait.ge [sflag:s15], $0x640  }
0x92: {  	[sflag:s15] =	ssyncset.done $0x0  }
0x93: {  	[sflag:s15] =	ssyncadd.s32 $0xFFFFF9C0  }
0x94: {  	_ =	swait.ge [sflag:s15], $0x640  }
0x95: {  	[sflag:s15] =	ssyncset.done $0x0  }
0x96: {  	[sflag:s15] =	ssyncadd.s32 $0xFFFFF9C0  }
0x97: {  	_ =	swait.ge [sflag:s15], $0x640  }
0x98: {  	[sflag:s15] =	ssyncset.done $0x0  }
0x99: {  	[sflag:s15] =	ssyncadd.s32 $0xFFFFF9C0  }
0x9a: {  	_ =	swait.ge [sflag:s15], $0x640  }
0x9b: {  	[sflag:s15] =	ssyncset.done $0x0  }
0x9c: {  	[sflag:s15] =	ssyncadd.s32 $0xFFFFF9C0  }
0x9d: {  	_ =	swait.ge [sflag:s15], $0x640  }
0x9e: {  	[sflag:s15] =	ssyncset.done $0x0  }
0x9f: {  	[sflag:s15] =	ssyncadd.s32 $0xFFFFF9C0  }
0xa0: {  	_ =	swait.ge [sflag:s15], $0x640  }
0xa1: {  	[sflag:s15] =	ssyncset.done $0x0  }
0xa2: {  	[sflag:s15] =	ssyncadd.s32 $0xFFFFF9C0  }
0xa3: {  	_ =	swait.ge [sflag:s15], $0x640  }
0xa4: {  	[sflag:s15] =	ssyncset.done $0x0  }
0xa5: {  	[sflag:s15] =	ssyncadd.s32 $0xFFFFF9C0  }
0xa6: {  	_ =	swait.ge [sflag:s15], $0x640  }
0xa7: {  	[sflag:s15] =	ssyncset.done $0x0  }
0xa8: {  	[sflag:s15] =	ssyncadd.s32 $0xFFFFF9C0  }
0xa9: {  	_ =	swait.ge [sflag:s15], $0x640  }
0xaa: {  	[sflag:s15] =	ssyncset.done $0x0  }
0xab: {  	[sflag:s15] =	ssyncadd.s32 $0xFFFFF9C0  }
0xac: {  	_ =	swait.ge [sflag:s15], $0x640  }
0xad: {  	[sflag:s15] =	ssyncset.done $0x0  }
0xae: {  	[sflag:s15] =	ssyncadd.s32 $0xFFFFF9C0  }
0xaf: {  	_ =	swait.ge [sflag:s15], $0x640  }
0xb0: {  	[sflag:s15] =	ssyncset.done $0x0  }
0xb1: {  	s29 =	simm.s32 $0x0;
	[sflag:s15] =	ssyncadd.s32 $0xFFFFF9C0  }
.LBB2_2:
0xb2: {  	v0 =	vmov s28;
	_ =	sdelay $0x3  }
0xb3: {  	s31 =	simm.s32 $0x0  }
0xb4: {  	v2 =	vld.idx.msk [tilespmem:v0+s31+$0x10 ss:$0x1], $0xffff  }
0xb5: {  	v1 =	vimm.f32 $0.0e+00;
	s30 =	simm.s32 $0x80;
	v3 =	vimm.f32 $0.0e+00;
	v4 =	vld.idx.msk [tilespmem:v0+s31+$0x0 ss:$0x1], $0xffff  }
.LBB2_3:
0xb6: {  	p0 =	sne.s32 s30, $0x1880  }
.Ltmp0:
0xb7: {  	_ = 	snop;
	(pc) =	sbr.rel @p0 .LBB2_3-.Ltmp0, $4  }
0xb8: {  	_ = 	snop  }
0xb9: {  	s31 =	sshra.s32 s30, $0x2;
	s30 =	sadd.s32 $0x80, s30  }
0xba: {  	v1 =	vadd.f32 v2, v1;
	v2 =	vld.idx.msk [tilespmem:v0+s31+$0x10 ss:$0x1], $0xffff  }
0xbb: {  	v3 =	vadd.f32 v4, v3;
	v4 =	vld.idx.msk [tilespmem:v0+s31+$0x0 ss:$0x1], $0xffff  }
0xbc: {  	_ =	sdelay $0x1  }
0xbd: {  	s30 =	sshll.u32 s29, $0x5;
	s29 =	sadd.s32 $0x1, s29  }
0xbe: {  	p0 =	sne.s32 s29, $0x20;
	v1 =	vadd.f32 v2, v1  }
.Ltmp1:
0xbf: {  	v0 =	vadd.f32 v4, v3;
	(pc) =	sbr.rel @p0 .LBB2_2-.Ltmp1, $4  }
0xc0: {  	v1 =	vmul.f32 $1.999999960e-02, v1  }
0xc1: {  	s30 =	sand.u32 $0x3FFFFFE0, s30;
	v0 =	vmul.f32 $1.999999960e-02, v0  }
0xc2: {  	[tilespmem:s30+$0xCF10] =	vst v1  }
0xc3: {  	s28 =	sadd.s32 $0x640, s28;
	[tilespmem:s30+$0xCF00] =	vst v0  }
0xc4: {  	s26 =	sadd.s32 $0x1, s26  }
0xc5: {  	p0 =	sne.s32 s26, s6  }
.Ltmp2:
0xc6: {  	_ = 	snop;
	(pc) =	sbr.rel @p0 .LBB2_1-.Ltmp2, $4  }
0xc7: {  	[hbm4b:s5+s2] =	stream.linear.scatter [tilespmem:s25], [sflag:$0x2], $0x400, $0x38;
	[tilespmem:$0xD300] =	vst v63  }
0xc8: {  	_ =	swait.ge [sflag:s7], $0x400  }
0xc9: {  	[sflag:s7] =	ssyncset.done $0x0  }
0xca: {  	[sflag:s7] =	ssyncadd.s32 $0xFFFFFC00  }
0xcb: {  	_ =	sfence.sel $0x180000  }
0xcc: {  	[bflag:$0x0] =	sbarrier.arrive $0xFFFF  }
0xcd: {  	_ =	strace $0x90000047  }
0xce: {  	s0 =	stileid.u32;
	[bflag:$0x2] =	sbarrier.arrive $0xFFFF  }
0xcf: {  	p0 =	sne.s32 s0, $0x0;
	s0 =	rddreg [dreg:$0x1]  }
0xd0: {  	s0 =	sadd.s32 @!p0 $0x100000, s0  }
0xd1: {  	[sflag:s0] =	ssyncadd.tile.s32 @!p0 $0x1;
	_ =	shalt  }
.Lfunc_end2:
_tile_overlayer_lowered:
.L_overlay_start_2:
0xd2: {  	(tag) =	ssettag $0x2  }
0xd3: {  	s0 =	rddreg [dreg:$0x0];
	s2 =	stileid.u32  }
0xd4: {  	s1 =	rddreg [dreg:$0x1];
	p0 =	sne.s32 s2, $0x0  }
0xd5: {  	s3 =	rddreg [dreg:$0x2];
	[bflag:$0x3] =	sbarrier.arrive $0xFFFF;
	s2 =	simm.s32 @!p0 $0x1C02  }
0xd6: {  	[timem:s3], [sflag:s2] =	dma.local @!p0 [hbm:s0], s1  }
0xd7: {  	s0 =	simm.s32 @!p0 $0x2  }
0xd8: {  	_ =	swait.ge @!p0 [sflag:s0], s1  }
0xd9: {  	s1 =	ssub.s32 @!p0 $0x0, s1;
	[sflag:s0] =	ssyncset.done @!p0 $0x0  }
0xda: {  	[sflag:s0] =	ssyncadd.s32 @!p0 s1  }
0xdb: {  	[bflag:$0x3] =	sbarrier.arrive $0xFFFF  }
0xdc: {  	_ =	shalt  }

</sc_bundles>
